<compile_context>
chip_gen: v7x
topology: tpu7x:2x2x1
jax: 0.10.2.dev20260603
libtpu: 0.0.44.dev20260713+nightly
codegen_flags: <defaults>
</compile_context>

<pallas_src>
import jax
import jax.numpy as jnp
from jax import lax
from jax.experimental import pallas as pl
from jax.experimental.pallas import tpu as pltpu
from jax.experimental.pallas import tpu_sc as plsc

_LOG_REG_C = 2.5e-05
_LEAF_COEF = 10.0

_NTRANS = 50000
_N_PARENTS = 800000
_N_STEMS = 400000
_NCOLS = 105

_NW = 32
_CHUNK_A = _N_PARENTS // _NW
_CHUNK_A_BUF = 25008

_C_BLK = 16384
_BLKS_1A = 20
_N1 = _BLKS_1A * _C_BLK
_N2 = _N_STEMS - _N1
_GRID1B = (_N2 + _C_BLK - 1) // _C_BLK

_CHUNK_B1 = _N1 // _NW
_CHUNK_B2 = 2272
_CHUNK_B2_TAIL = _N2 - 31 * _CHUNK_B2


def _tc1_body(stem_ref, v_ref):
    v_ref[...] = jnp.sum(jnp.exp(stem_ref[...]), axis=0)


def _make_tc1(grid, blk_off, out_n):
    return pl.pallas_call(
        _tc1_body,
        grid=(grid,),
        in_specs=[pl.BlockSpec((_NCOLS, _C_BLK), lambda i: (0, i + blk_off))],
        out_specs=pl.BlockSpec((_C_BLK,), lambda i: (i,)),
        out_shape=jax.ShapeDtypeStruct((out_n,), jnp.float32),
    )


def _sca_body(qsa_hbm, pb_hbm, zeros_hbm, out_hbm, vals, idx, acc):
    c = lax.axis_index("c")
    s = lax.axis_index("s")
    wid = c * 16 + s

    @pl.when(s == 0)
    def _():
        pltpu.sync_copy(zeros_hbm, acc)

    pltpu.sync_copy(qsa_hbm.at[pl.ds(wid * _CHUNK_A, _CHUNK_A)],
                    vals.at[pl.ds(0, _CHUNK_A)])
    pltpu.sync_copy(pb_hbm.at[pl.ds(wid * _CHUNK_A, _CHUNK_A)],
                    idx.at[pl.ds(0, _CHUNK_A)])

    def _exp_step(i, carry):
        sl = pl.ds(i * 16, 16)
        vals[sl] = jnp.exp(vals[sl])
        return carry

    lax.fori_loop(0, _CHUNK_A_BUF // 16, _exp_step, 0)

    lane = lax.iota(jnp.int32, 16)
    tail = pl.ds(_CHUNK_A_BUF - 16, 16)
    vals[tail] = jnp.where(lane < 8, vals[tail], 0.0)
    idx[tail] = jnp.where(lane < 8, idx[tail], 0)

    plsc.subcore_barrier()
    pltpu.sync_copy(vals, acc.at[idx], add=True)
    plsc.subcore_barrier()

    @pl.when(s == 0)
    def _():
        pltpu.sync_copy(acc, out_hbm.at[c])


_sc_a = pl.kernel(
    _sca_body,
    mesh=plsc.VectorSubcoreMesh(core_axis_name="c", subcore_axis_name="s"),
    out_type=jax.ShapeDtypeStruct((2, _NTRANS), jnp.float32),
    scratch_types=[
        pltpu.VMEM((_CHUNK_A_BUF,), jnp.float32),
        pltpu.VMEM((_CHUNK_A_BUF,), jnp.int32),
        pltpu.VMEM_SHARED((_NTRANS,), jnp.float32),
    ],
)


def _make_scb(chunk, tail, sb_off):

    def _scb_body(v_hbm, sb_hbm, zeros_hbm, out_hbm, vals, idx, acc):
        c = lax.axis_index("c")
        s = lax.axis_index("s")
        wid = c * 16 + s

        @pl.when(s == 0)
        def _():
            pltpu.sync_copy(zeros_hbm, acc)

        if tail == chunk:
            pltpu.sync_copy(v_hbm.at[pl.ds(wid * chunk, chunk)], vals)
            pltpu.sync_copy(sb_hbm.at[pl.ds(sb_off + wid * chunk, chunk)], idx)
        else:
            @pl.when(wid < 31)
            def _():
                pltpu.sync_copy(v_hbm.at[pl.ds(wid * chunk, chunk)], vals)
                pltpu.sync_copy(sb_hbm.at[pl.ds(sb_off + wid * chunk, chunk)],
                                idx)

            @pl.when(wid == 31)
            def _():
                pltpu.sync_copy(v_hbm.at[pl.ds(31 * chunk, tail)],
                                vals.at[pl.ds(0, tail)])
                pltpu.sync_copy(sb_hbm.at[pl.ds(sb_off + 31 * chunk, tail)],
                                idx.at[pl.ds(0, tail)])
                zf = jnp.zeros((16,), jnp.float32)
                zi = jnp.zeros((16,), jnp.int32)

                def _fill(i, carry):
                    sl = pl.ds(i * 16, 16)
                    vals[sl] = zf
                    idx[sl] = zi
                    return carry

                lax.fori_loop(tail // 16, chunk // 16, _fill, 0)

        plsc.subcore_barrier()
        pltpu.sync_copy(vals, acc.at[idx], add=True)
        plsc.subcore_barrier()

        @pl.when(s == 0)
        def _():
            pltpu.sync_copy(acc, out_hbm.at[c])

    return pl.kernel(
        _scb_body,
        mesh=plsc.VectorSubcoreMesh(core_axis_name="c", subcore_axis_name="s"),
        out_type=jax.ShapeDtypeStruct((2, _NTRANS), jnp.float32),
        scratch_types=[
            pltpu.VMEM((chunk,), jnp.float32),
            pltpu.VMEM((chunk,), jnp.int32),
            pltpu.VMEM_SHARED((_NTRANS,), jnp.float32),
        ],
    )


_sc_b1 = _make_scb(_CHUNK_B1, _CHUNK_B1, 0)
_sc_b2 = _make_scb(_CHUNK_B2, _CHUNK_B2_TAIL, _N1)


def _tc2_body(pa_ref, pb1_ref, pb2_ref, mol_ref, r_ref, d_ref,
              loss_ref, term_ref, flow_ref):
    exp_inflow = jnp.sum(pa_ref[...], axis=0, keepdims=True)
    inflow = jnp.log(exp_inflow + _LOG_REG_C)
    exp_outflow = (jnp.sum(pb1_ref[...], axis=0, keepdims=True)
                   + jnp.sum(pb2_ref[...], axis=0, keepdims=True)
                   + jnp.exp(mol_ref[...]))
    dd = d_ref[...]
    opr = jnp.log(_LOG_REG_C + r_ref[...] + exp_outflow * (1.0 - dd))
    losses = (inflow - opr) ** 2
    term = jnp.sum(losses * dd) / (jnp.sum(dd) + 1e-20)
    flow = jnp.sum(losses * (1.0 - dd)) / (jnp.sum(1.0 - dd) + 1e-20)
    loss_ref[0, 0] = term * _LEAF_COEF + flow
    term_ref[0, 0] = term
    flow_ref[0, 0] = flow


def _tc2(part_a, part_b1, part_b2, mol2, r2, d2):
    return pl.pallas_call(
        _tc2_body,
        out_specs=[
            pl.BlockSpec(memory_space=pltpu.SMEM),
            pl.BlockSpec(memory_space=pltpu.SMEM),
            pl.BlockSpec(memory_space=pltpu.SMEM),
        ],
        out_shape=[
            jax.ShapeDtypeStruct((1, 1), jnp.float32),
            jax.ShapeDtypeStruct((1, 1), jnp.float32),
            jax.ShapeDtypeStruct((1, 1), jnp.float32),
        ],
    )(part_a, part_b1, part_b2, mol2, r2, d2)


def kernel(stem_out_s, mol_out_s, qsa_p, r, d, pb, stem_batch):
    zeros = jnp.zeros((_NTRANS,), jnp.float32)
    sb = stem_batch.astype(jnp.int32)
    part_a = _sc_a(qsa_p, pb.astype(jnp.int32), zeros)

    stem_t = stem_out_s.T
    v1 = _make_tc1(_BLKS_1A, 0, _N1)(stem_t)

    v1, part_a = lax.optimization_barrier((v1, part_a))
    part_b1 = _sc_b1(v1, sb, zeros)

    stem_t, v1 = lax.optimization_barrier((stem_t, v1))
    v2 = _make_tc1(_GRID1B, _BLKS_1A, _N2)(stem_t)
    v2, part_b1 = lax.optimization_barrier((v2, part_b1))
    part_b2 = _sc_b2(v2, sb, zeros)

    mol2 = mol_out_s.reshape(1, _NTRANS)
    r2 = r.reshape(1, _NTRANS)
    d2 = d.reshape(1, _NTRANS)
    loss, term, flow = _tc2(part_a, part_b1, part_b2, mol2, r2, d2)
    return (loss[0, 0], term[0, 0], flow[0, 0])

# --- scband reference (transcript-rebuilt; emitter-appended) ---
"""Pipeline reference for scband-fmgflow-net-24300924961588 (READ-ONLY COPY).

The authoritative reference and input builder live on the scoring server;
editing this copy changes nothing except your own understanding.
"""

import jax, jax.numpy as jnp
import numpy as np

LOG_REG_C = 2.5e-05
LEAF_COEF = 10.0
NTRANS = 50000
N_PARENTS = 800000
N_STEMS = 400000
NUM_BLOCKS = 105


def setup_inputs(seed: int = 0) -> dict:
    key = jax.random.key(seed)
    k1, k2, k3, k4, k5, k6, k7 = jax.random.split(key, 7)
    stem_out_s = jax.random.normal(k1, (N_STEMS, NUM_BLOCKS), dtype=jnp.float32)
    mol_out_s = jax.random.normal(k2, (NTRANS, 1), dtype=jnp.float32)
    qsa_p = jax.random.normal(k3, (N_PARENTS,), dtype=jnp.float32)
    r = jax.random.uniform(k4, (NTRANS,), dtype=jnp.float32)
    d = jax.random.uniform(k5, (NTRANS,), dtype=jnp.float32)
    pb = jnp.sort(jax.random.randint(k6, (N_PARENTS,), 0, NTRANS, dtype=jnp.int64))
    stem_batch = jnp.sort(jax.random.randint(k7, (N_STEMS,), 0, NTRANS, dtype=jnp.int64))
    return {"stem_out_s": stem_out_s, "mol_out_s": mol_out_s, "qsa_p": qsa_p, "r": r, "d": d, "pb": pb, "stem_batch": stem_batch}


def reference(stem_out_s, mol_out_s, qsa_p, r, d, pb, stem_batch):
    ntransitions = r.shape[0]
    # inflow: scatter-add exp(qsa_p) into transition segments by parent-back-pointer pb
    exp_inflow = jnp.zeros((ntransitions,), dtype=qsa_p.dtype).at[pb].add(jnp.exp(qsa_p))
    inflow = jnp.log(exp_inflow + LOG_REG_C)
    # outflow: sum_output = global_add_pool(exp(stem_out), stems_batch).sum(1) + exp(mol_out)
    stem_pool = jax.ops.segment_sum(jnp.exp(stem_out_s), stem_batch, num_segments=ntransitions)
    exp_outflow = stem_pool.sum(axis=1) + jnp.exp(mol_out_s[:, 0])
    outflow_plus_r = jnp.log(LOG_REG_C + r + exp_outflow * (1.0 - d))
    losses = (inflow - outflow_plus_r) ** 2
    term_loss = (losses * d).sum() / (d.sum() + 1e-20)
    flow_loss = (losses * (1.0 - d)).sum() / ((1.0 - d).sum() + 1e-20)
    # balanced_loss=True branch
    loss = term_loss * LEAF_COEF + flow_loss
    return (loss, term_loss, flow_loss)

if __name__ == "__main__":
    import jax
    _d = setup_inputs()
    print(jax.jit(kernel)(*tuple(_d.values())))

</pallas_src>

<mosaic_0001>
#map = affine_map<(d0, d1) -> (0)>
#map1 = affine_map<(d0, d1) -> (0, 0)>
module attributes {stable_mosaic.version = 14 : i64} {
  func.func @_scb_body(%arg0: i32, %arg1: i32, %arg2: memref<327680xf32, #tpu.memory_space<hbm>>, %arg3: memref<400000xi32, #tpu.memory_space<hbm>>, %arg4: memref<50000xf32, #tpu.memory_space<hbm>>, %arg5: memref<2x50000xf32, #tpu.memory_space<hbm>>, %arg6: memref<10240xf32, #tpu.memory_space<vmem>>, %arg7: memref<10240xi32, #tpu.memory_space<vmem>>, %arg8: memref<50000xf32, #tpu.memory_space<vmem_shared>>) attributes {dimension_semantics = [#tpu.dimension_semantics<core_parallel>, #tpu.dimension_semantics<subcore_parallel>], iteration_bounds = array<i64: 2, 16>, scalar_prefetch = 0 : i64, scratch_operands = 3 : i64, tpu.core_type = #tpu.core_type<sc_vector_subcore>, window_params = [{transform_indices = #map}, {transform_indices = #map}, {transform_indices = #map}, {transform_indices = #map1}]} {
    %mul3A = arith.constant 16 : i32
    %mul3A_0 = arith.muli %arg0, %mul3A : i32
    %add3A = arith.addi %mul3A_0, %arg1 : i32
    %eq3A = arith.constant 0 : i32
    %eq3A_1 = arith.cmpi eq, %arg1, %eq3A : i32
    %convert_element_type3A = arith.extui %eq3A_1 : i1 to i32
    %cond3A = arith.constant 0 : i32
    %cond3A_2 = arith.cmpi ne, %convert_element_type3A, %cond3A : i32
    scf.if %cond3A_2 {
      "tpu.region"() ({
        %run_scoped3A = tpu.sem_alloc : memref<!tpu.dma_semaphore, #tpu.memory_space<semaphore_mem>>
        tpu.enqueue_dma source(%arg4 : memref<50000xf32, #tpu.memory_space<hbm>>) target(%arg8 : memref<50000xf32, #tpu.memory_space<vmem_shared>>) target_semaphore(%run_scoped3A : memref<!tpu.dma_semaphore, #tpu.memory_space<semaphore_mem>>)
        tpu.wait_dma2 semaphore(%run_scoped3A : memref<!tpu.dma_semaphore, #tpu.memory_space<semaphore_mem>>) src(%arg4 : memref<50000xf32, #tpu.memory_space<hbm>>) dst(%arg8 : memref<50000xf32, #tpu.memory_space<vmem_shared>>)
        tpu.yield
      }) : () -> ()
    } else {
    }
    %mul3A_3 = arith.constant 10240 : i32
    %mul3A_4 = arith.muli %add3A, %mul3A_3 : i32
    "tpu.region"() ({
      %run_scoped3A = tpu.sem_alloc : memref<!tpu.dma_semaphore, #tpu.memory_space<semaphore_mem>>
      %dma_start3A = tpu.memref_slice %arg2[%mul3A_4] : memref<327680xf32, #tpu.memory_space<hbm>> -> memref<10240xf32, #tpu.memory_space<hbm>>
      %dma_start3A_15 = tpu.memref_slice %arg2[%mul3A_4] : memref<327680xf32, #tpu.memory_space<hbm>> -> memref<10240xf32, #tpu.memory_space<hbm>>
      tpu.enqueue_dma source(%dma_start3A_15 : memref<10240xf32, #tpu.memory_space<hbm>>) target(%arg6 : memref<10240xf32, #tpu.memory_space<vmem>>) target_semaphore(%run_scoped3A : memref<!tpu.dma_semaphore, #tpu.memory_space<semaphore_mem>>)
      %dma_wait3A = tpu.memref_slice %arg2[%mul3A_4] : memref<327680xf32, #tpu.memory_space<hbm>> -> memref<10240xf32, #tpu.memory_space<hbm>>
      %dma_wait3A_16 = tpu.memref_slice %arg2[%mul3A_4] : memref<327680xf32, #tpu.memory_space<hbm>> -> memref<10240xf32, #tpu.memory_space<hbm>>
      tpu.wait_dma2 semaphore(%run_scoped3A : memref<!tpu.dma_semaphore, #tpu.memory_space<semaphore_mem>>) src(%dma_wait3A_16 : memref<10240xf32, #tpu.memory_space<hbm>>) dst(%arg6 : memref<10240xf32, #tpu.memory_space<vmem>>)
      tpu.yield
    }) : () -> ()
    %mul3A_5 = arith.constant 10240 : i32
    %mul3A_6 = arith.muli %add3A, %mul3A_5 : i32
    %add3A_7 = arith.constant 0 : i32
    %add3A_8 = arith.addi %add3A_7, %mul3A_6 : i32
    "tpu.region"() ({
      %run_scoped3A = tpu.sem_alloc : memref<!tpu.dma_semaphore, #tpu.memory_space<semaphore_mem>>
      %dma_start3A = tpu.memref_slice %arg3[%add3A_8] : memref<400000xi32, #tpu.memory_space<hbm>> -> memref<10240xi32, #tpu.memory_space<hbm>>
      %dma_start3A_15 = tpu.memref_slice %arg3[%add3A_8] : memref<400000xi32, #tpu.memory_space<hbm>> -> memref<10240xi32, #tpu.memory_space<hbm>>
      tpu.enqueue_dma source(%dma_start3A_15 : memref<10240xi32, #tpu.memory_space<hbm>>) target(%arg7 : memref<10240xi32, #tpu.memory_space<vmem>>) target_semaphore(%run_scoped3A : memref<!tpu.dma_semaphore, #tpu.memory_space<semaphore_mem>>)
      %dma_wait3A = tpu.memref_slice %arg3[%add3A_8] : memref<400000xi32, #tpu.memory_space<hbm>> -> memref<10240xi32, #tpu.memory_space<hbm>>
      %dma_wait3A_16 = tpu.memref_slice %arg3[%add3A_8] : memref<400000xi32, #tpu.memory_space<hbm>> -> memref<10240xi32, #tpu.memory_space<hbm>>
      tpu.wait_dma2 semaphore(%run_scoped3A : memref<!tpu.dma_semaphore, #tpu.memory_space<semaphore_mem>>) src(%dma_wait3A_16 : memref<10240xi32, #tpu.memory_space<hbm>>) dst(%arg7 : memref<10240xi32, #tpu.memory_space<vmem>>)
      tpu.yield
    }) : () -> ()
    %barrier3A = arith.constant 0 : index
    tpu.barrier barrier_id(%barrier3A)
    "tpu.region"() ({
      %run_scoped3A = tpu.sem_alloc : memref<!tpu.dma_semaphore, #tpu.memory_space<semaphore_mem>>
      %dma_start3A = arith.constant 0 : i32
      %dma_start3A_15 = tpu.memref_slice %arg8[%dma_start3A] : memref<50000xf32, #tpu.memory_space<vmem_shared>> -> memref<50000xf32, #tpu.memory_space<vmem_shared>>
      tpu.enqueue_indirect_dma source(%arg6 : memref<10240xf32, #tpu.memory_space<vmem>>) target(%dma_start3A_15 : memref<50000xf32, #tpu.memory_space<vmem_shared>>) offsets(%arg7 : memref<10240xi32, #tpu.memory_space<vmem>>) semaphore(%run_scoped3A : memref<!tpu.dma_semaphore, #tpu.memory_space<semaphore_mem>>) {add = true}
      %dma_wait3A = arith.constant 0 : i32
      %dma_wait3A_16 = tpu.memref_slice %arg8[%dma_wait3A] : memref<50000xf32, #tpu.memory_space<vmem_shared>> -> memref<50000xf32, #tpu.memory_space<vmem_shared>>
      tpu.wait_indirect_dma semaphore(%run_scoped3A : memref<!tpu.dma_semaphore, #tpu.memory_space<semaphore_mem>>) src(%arg6 : memref<10240xf32, #tpu.memory_space<vmem>>) dst(%dma_wait3A_16 : memref<50000xf32, #tpu.memory_space<vmem_shared>>)
      tpu.yield
    }) : () -> ()
    %barrier3A_9 = arith.constant 0 : index
    tpu.barrier barrier_id(%barrier3A_9)
    %eq3A_10 = arith.constant 0 : i32
    %eq3A_11 = arith.cmpi eq, %arg1, %eq3A_10 : i32
    %convert_element_type3A_12 = arith.extui %eq3A_11 : i1 to i32
    %cond3A_13 = arith.constant 0 : i32
    %cond3A_14 = arith.cmpi ne, %convert_element_type3A_12, %cond3A_13 : i32
    scf.if %cond3A_14 {
      "tpu.region"() ({
        %run_scoped3A = tpu.sem_alloc : memref<!tpu.dma_semaphore, #tpu.memory_space<semaphore_mem>>
        %dma_start3A = arith.constant 0 : i32
        %dma_start3A_15 = tpu.memref_slice %arg5[%arg0, %dma_start3A] : memref<2x50000xf32, #tpu.memory_space<hbm>> -> memref<1x50000xf32, #tpu.memory_space<hbm>>
        %dma_start3A_16 = tpu.memref_squeeze %dma_start3A_15 : memref<1x50000xf32, #tpu.memory_space<hbm>> -> memref<50000xf32, #tpu.memory_space<hbm>>
        tpu.enqueue_dma source(%arg8 : memref<50000xf32, #tpu.memory_space<vmem_shared>>) target(%dma_start3A_16 : memref<50000xf32, #tpu.memory_space<hbm>>) target_semaphore(%run_scoped3A : memref<!tpu.dma_semaphore, #tpu.memory_space<semaphore_mem>>)
        %dma_wait3A = arith.constant 0 : i32
        %dma_wait3A_17 = tpu.memref_slice %arg5[%arg0, %dma_wait3A] : memref<2x50000xf32, #tpu.memory_space<hbm>> -> memref<1x50000xf32, #tpu.memory_space<hbm>>
        %dma_wait3A_18 = tpu.memref_squeeze %dma_wait3A_17 : memref<1x50000xf32, #tpu.memory_space<hbm>> -> memref<50000xf32, #tpu.memory_space<hbm>>
        tpu.wait_dma2 semaphore(%run_scoped3A : memref<!tpu.dma_semaphore, #tpu.memory_space<semaphore_mem>>) src(%arg8 : memref<50000xf32, #tpu.memory_space<vmem_shared>>) dst(%dma_wait3A_18 : memref<50000xf32, #tpu.memory_space<hbm>>)
        tpu.yield
      }) : () -> ()
    } else {
    }
    return
  }
}

#map = affine_map<(d0, d1) -> (0)>
#map1 = affine_map<(d0, d1) -> (0, 0)>
module attributes {stable_mosaic.version = 14 : i64} {
  func.func @_sca_body(%arg0: i32, %arg1: i32, %arg2: memref<800000xf32, #tpu.memory_space<hbm>>, %arg3: memref<800000xi32, #tpu.memory_space<hbm>>, %arg4: memref<50000xf32, #tpu.memory_space<hbm>>, %arg5: memref<2x50000xf32, #tpu.memory_space<hbm>>, %arg6: memref<25008xf32, #tpu.memory_space<vmem>>, %arg7: memref<25008xi32, #tpu.memory_space<vmem>>, %arg8: memref<50000xf32, #tpu.memory_space<vmem_shared>>) attributes {dimension_semantics = [#tpu.dimension_semantics<core_parallel>, #tpu.dimension_semantics<subcore_parallel>], iteration_bounds = array<i64: 2, 16>, scalar_prefetch = 0 : i64, scratch_operands = 3 : i64, tpu.core_type = #tpu.core_type<sc_vector_subcore>, window_params = [{transform_indices = #map}, {transform_indices = #map}, {transform_indices = #map}, {transform_indices = #map1}]} {
    %mul3A = arith.constant 16 : i32
    %mul3A_0 = arith.muli %arg0, %mul3A : i32
    %add3A = arith.addi %mul3A_0, %arg1 : i32
    %eq3A = arith.constant 0 : i32
    %eq3A_1 = arith.cmpi eq, %arg1, %eq3A : i32
    %convert_element_type3A = arith.extui %eq3A_1 : i1 to i32
    %cond3A = arith.constant 0 : i32
    %cond3A_2 = arith.cmpi ne, %convert_element_type3A, %cond3A : i32
    scf.if %cond3A_2 {
      "tpu.region"() ({
        %run_scoped3A = tpu.sem_alloc : memref<!tpu.dma_semaphore, #tpu.memory_space<semaphore_mem>>
        tpu.enqueue_dma source(%arg4 : memref<50000xf32, #tpu.memory_space<hbm>>) target(%arg8 : memref<50000xf32, #tpu.memory_space<vmem_shared>>) target_semaphore(%run_scoped3A : memref<!tpu.dma_semaphore, #tpu.memory_space<semaphore_mem>>)
        tpu.wait_dma2 semaphore(%run_scoped3A : memref<!tpu.dma_semaphore, #tpu.memory_space<semaphore_mem>>) src(%arg4 : memref<50000xf32, #tpu.memory_space<hbm>>) dst(%arg8 : memref<50000xf32, #tpu.memory_space<vmem_shared>>)
        tpu.yield
      }) : () -> ()
    } else {
    }
    %mul3A_3 = arith.constant 25000 : i32
    %mul3A_4 = arith.muli %add3A, %mul3A_3 : i32
    "tpu.region"() ({
      %run_scoped3A = tpu.sem_alloc : memref<!tpu.dma_semaphore, #tpu.memory_space<semaphore_mem>>
      %dma_start3A = arith.constant 0 : i32
      %dma_start3A_38 = tpu.memref_slice %arg6[%dma_start3A] : memref<25008xf32, #tpu.memory_space<vmem>> -> memref<25000xf32, #tpu.memory_space<vmem>>
      %dma_start3A_39 = tpu.memref_slice %arg2[%mul3A_4] : memref<800000xf32, #tpu.memory_space<hbm>> -> memref<25000xf32, #tpu.memory_space<hbm>>
      %dma_start3A_40 = arith.constant 0 : i32
      %dma_start3A_41 = tpu.memref_slice %arg6[%dma_start3A_40] : memref<25008xf32, #tpu.memory_space<vmem>> -> memref<25000xf32, #tpu.memory_space<vmem>>
      %dma_start3A_42 = tpu.memref_slice %arg2[%mul3A_4] : memref<800000xf32, #tpu.memory_space<hbm>> -> memref<25000xf32, #tpu.memory_space<hbm>>
      tpu.enqueue_dma source(%dma_start3A_42 : memref<25000xf32, #tpu.memory_space<hbm>>) target(%dma_start3A_41 : memref<25000xf32, #tpu.memory_space<vmem>>) target_semaphore(%run_scoped3A : memref<!tpu.dma_semaphore, #tpu.memory_space<semaphore_mem>>)
      %dma_wait3A = arith.constant 0 : i32
      %dma_wait3A_43 = tpu.memref_slice %arg6[%dma_wait3A] : memref<25008xf32, #tpu.memory_space<vmem>> -> memref<25000xf32, #tpu.memory_space<vmem>>
      %dma_wait3A_44 = tpu.memref_slice %arg2[%mul3A_4] : memref<800000xf32, #tpu.memory_space<hbm>> -> memref<25000xf32, #tpu.memory_space<hbm>>
      %dma_wait3A_45 = arith.constant 0 : i32
      %dma_wait3A_46 = tpu.memref_slice %arg6[%dma_wait3A_45] : memref<25008xf32, #tpu.memory_space<vmem>> -> memref<25000xf32, #tpu.memory_space<vmem>>
      %dma_wait3A_47 = tpu.memref_slice %arg2[%mul3A_4] : memref<800000xf32, #tpu.memory_space<hbm>> -> memref<25000xf32, #tpu.memory_space<hbm>>
      tpu.wait_dma2 semaphore(%run_scoped3A : memref<!tpu.dma_semaphore, #tpu.memory_space<semaphore_mem>>) src(%dma_wait3A_47 : memref<25000xf32, #tpu.memory_space<hbm>>) dst(%dma_wait3A_46 : memref<25000xf32, #tpu.memory_space<vmem>>)
      tpu.yield
    }) : () -> ()
    %mul3A_5 = arith.constant 25000 : i32
    %mul3A_6 = arith.muli %add3A, %mul3A_5 : i32
    "tpu.region"() ({
      %run_scoped3A = tpu.sem_alloc : memref<!tpu.dma_semaphore, #tpu.memory_space<semaphore_mem>>
      %dma_start3A = arith.constant 0 : i32
      %dma_start3A_38 = tpu.memref_slice %arg7[%dma_start3A] : memref<25008xi32, #tpu.memory_space<vmem>> -> memref<25000xi32, #tpu.memory_space<vmem>>
      %dma_start3A_39 = tpu.memref_slice %arg3[%mul3A_6] : memref<800000xi32, #tpu.memory_space<hbm>> -> memref<25000xi32, #tpu.memory_space<hbm>>
      %dma_start3A_40 = arith.constant 0 : i32
      %dma_start3A_41 = tpu.memref_slice %arg7[%dma_start3A_40] : memref<25008xi32, #tpu.memory_space<vmem>> -> memref<25000xi32, #tpu.memory_space<vmem>>
      %dma_start3A_42 = tpu.memref_slice %arg3[%mul3A_6] : memref<800000xi32, #tpu.memory_space<hbm>> -> memref<25000xi32, #tpu.memory_space<hbm>>
      tpu.enqueue_dma source(%dma_start3A_42 : memref<25000xi32, #tpu.memory_space<hbm>>) target(%dma_start3A_41 : memref<25000xi32, #tpu.memory_space<vmem>>) target_semaphore(%run_scoped3A : memref<!tpu.dma_semaphore, #tpu.memory_space<semaphore_mem>>)
      %dma_wait3A = arith.constant 0 : i32
      %dma_wait3A_43 = tpu.memref_slice %arg7[%dma_wait3A] : memref<25008xi32, #tpu.memory_space<vmem>> -> memref<25000xi32, #tpu.memory_space<vmem>>
      %dma_wait3A_44 = tpu.memref_slice %arg3[%mul3A_6] : memref<800000xi32, #tpu.memory_space<hbm>> -> memref<25000xi32, #tpu.memory_space<hbm>>
      %dma_wait3A_45 = arith.constant 0 : i32
      %dma_wait3A_46 = tpu.memref_slice %arg7[%dma_wait3A_45] : memref<25008xi32, #tpu.memory_space<vmem>> -> memref<25000xi32, #tpu.memory_space<vmem>>
      %dma_wait3A_47 = tpu.memref_slice %arg3[%mul3A_6] : memref<800000xi32, #tpu.memory_space<hbm>> -> memref<25000xi32, #tpu.memory_space<hbm>>
      tpu.wait_dma2 semaphore(%run_scoped3A : memref<!tpu.dma_semaphore, #tpu.memory_space<semaphore_mem>>) src(%dma_wait3A_47 : memref<25000xi32, #tpu.memory_space<hbm>>) dst(%dma_wait3A_46 : memref<25000xi32, #tpu.memory_space<vmem>>)
      tpu.yield
    }) : () -> ()
    %scan3A = arith.constant 0 : i32
    %scan3A_7 = arith.constant 0 : i32
    %scan3A_8 = arith.constant 1563 : i32
    %scan3A_9 = arith.addi %scan3A_7, %scan3A_8 : i32
    %scan3A_10 = arith.constant 1 : i32
    scf.for %scan3A_38 = %scan3A_7 to %scan3A_9 step %scan3A_10  : i32 {
      %mul3A_39 = arith.constant 16 : i32
      %mul3A_40 = arith.muli %scan3A_38, %mul3A_39 : i32
      %get3A_41 = arith.index_cast %mul3A_40 : i32 to index
      %get3A_42 = tpu.vector_load %arg6[%get3A_41] {strides = array<i32>} : memref<25008xf32, #tpu.memory_space<vmem>>, vector<16xf32>,
      %get3A_43 = vector.shape_cast %get3A_42 : vector<16xf32> to vector<16xf32>
      %exp3A = math.exp %get3A_43 : vector<16xf32>
      %swap3A_44 = arith.index_cast %mul3A_40 : i32 to index
      %swap3A_45 = tpu.vector_load %arg6[%swap3A_44] {strides = array<i32>} : memref<25008xf32, #tpu.memory_space<vmem>>, vector<16xf32>,
      %swap3A_46 = vector.shape_cast %swap3A_45 : vector<16xf32> to vector<16xf32>
      %swap3A_47 = vector.shape_cast %exp3A : vector<16xf32> to vector<16xf32>
      tpu.vector_store %arg6[%swap3A_44], %swap3A_47 {strides = array<i32>} : memref<25008xf32, #tpu.memory_space<vmem>>, vector<16xf32>,
    }
    %scan3A_11 = arith.constant 1563 : i32
    %iota3A = tpu.iota {dimensions = array<i32: 0>} : vector<16xi32>
    %lt3A = arith.constant 8 : i32
    %lt3A_12 = vector.broadcast %lt3A : i32 to vector<16xi32>
    %lt3A_13 = arith.cmpi slt, %iota3A, %lt3A_12 : vector<16xi32>
    %get3A = arith.constant 24992 : index
    %get3A_14 = tpu.vector_load %arg6[%get3A] {strides = array<i32>} : memref<25008xf32, #tpu.memory_space<vmem>>, vector<16xf32>,
    %get3A_15 = vector.shape_cast %get3A_14 : vector<16xf32> to vector<16xf32>
    %jit3A = arith.constant 0.000000e+00 : f32
    %broadcast_in_dim3A = vector.broadcast %jit3A : f32 to vector<16xf32>
    %select_n3A = arith.select %lt3A_13, %get3A_15, %broadcast_in_dim3A : vector<16xi1>, vector<16xf32>
    %swap3A = arith.constant 24992 : index
    %swap3A_16 = tpu.vector_load %arg6[%swap3A] {strides = array<i32>} : memref<25008xf32, #tpu.memory_space<vmem>>, vector<16xf32>,
    %swap3A_17 = vector.shape_cast %swap3A_16 : vector<16xf32> to vector<16xf32>
    %swap3A_18 = vector.shape_cast %select_n3A : vector<16xf32> to vector<16xf32>
    tpu.vector_store %arg6[%swap3A], %swap3A_18 {strides = array<i32>} : memref<25008xf32, #tpu.memory_space<vmem>>, vector<16xf32>,
    %lt3A_19 = arith.constant 8 : i32
    %lt3A_20 = vector.broadcast %lt3A_19 : i32 to vector<16xi32>
    %lt3A_21 = arith.cmpi slt, %iota3A, %lt3A_20 : vector<16xi32>
    %get3A_22 = arith.constant 24992 : index
    %get3A_23 = tpu.vector_load %arg7[%get3A_22] {strides = array<i32>} : memref<25008xi32, #tpu.memory_space<vmem>>, vector<16xi32>,
    %get3A_24 = vector.shape_cast %get3A_23 : vector<16xi32> to vector<16xi32>
    %jit3A_25 = arith.constant 0 : i32
    %broadcast_in_dim3A_26 = vector.broadcast %jit3A_25 : i32 to vector<16xi32>
    %select_n3A_27 = arith.select %lt3A_21, %get3A_24, %broadcast_in_dim3A_26 : vector<16xi1>, vector<16xi32>
    %swap3A_28 = arith.constant 24992 : index
    %swap3A_29 = tpu.vector_load %arg7[%swap3A_28] {strides = array<i32>} : memref<25008xi32, #tpu.memory_space<vmem>>, vector<16xi32>,
    %swap3A_30 = vector.shape_cast %swap3A_29 : vector<16xi32> to vector<16xi32>
    %swap3A_31 = vector.shape_cast %select_n3A_27 : vector<16xi32> to vector<16xi32>
    tpu.vector_store %arg7[%swap3A_28], %swap3A_31 {strides = array<i32>} : memref<25008xi32, #tpu.memory_space<vmem>>, vector<16xi32>,
    %barrier3A = arith.constant 0 : index
    tpu.barrier barrier_id(%barrier3A)
    "tpu.region"() ({
      %run_scoped3A = tpu.sem_alloc : memref<!tpu.dma_semaphore, #tpu.memory_space<semaphore_mem>>
      %dma_start3A = arith.constant 0 : i32
      %dma_start3A_38 = tpu.memref_slice %arg8[%dma_start3A] : memref<50000xf32, #tpu.memory_space<vmem_shared>> -> memref<50000xf32, #tpu.memory_space<vmem_shared>>
      tpu.enqueue_indirect_dma source(%arg6 : memref<25008xf32, #tpu.memory_space<vmem>>) target(%dma_start3A_38 : memref<50000xf32, #tpu.memory_space<vmem_shared>>) offsets(%arg7 : memref<25008xi32, #tpu.memory_space<vmem>>) semaphore(%run_scoped3A : memref<!tpu.dma_semaphore, #tpu.memory_space<semaphore_mem>>) {add = true}
      %dma_wait3A = arith.constant 0 : i32
      %dma_wait3A_39 = tpu.memref_slice %arg8[%dma_wait3A] : memref<50000xf32, #tpu.memory_space<vmem_shared>> -> memref<50000xf32, #tpu.memory_space<vmem_shared>>
      tpu.wait_indirect_dma semaphore(%run_scoped3A : memref<!tpu.dma_semaphore, #tpu.memory_space<semaphore_mem>>) src(%arg6 : memref<25008xf32, #tpu.memory_space<vmem>>) dst(%dma_wait3A_39 : memref<50000xf32, #tpu.memory_space<vmem_shared>>)
      tpu.yield
    }) : () -> ()
    %barrier3A_32 = arith.constant 0 : index
    tpu.barrier barrier_id(%barrier3A_32)
    %eq3A_33 = arith.constant 0 : i32
    %eq3A_34 = arith.cmpi eq, %arg1, %eq3A_33 : i32
    %convert_element_type3A_35 = arith.extui %eq3A_34 : i1 to i32
    %cond3A_36 = arith.constant 0 : i32
    %cond3A_37 = arith.cmpi ne, %convert_element_type3A_35, %cond3A_36 : i32
    scf.if %cond3A_37 {
      "tpu.region"() ({
        %run_scoped3A = tpu.sem_alloc : memref<!tpu.dma_semaphore, #tpu.memory_space<semaphore_mem>>
        %dma_start3A = arith.constant 0 : i32
        %dma_start3A_38 = tpu.memref_slice %arg5[%arg0, %dma_start3A] : memref<2x50000xf32, #tpu.memory_space<hbm>> -> memref<1x50000xf32, #tpu.memory_space<hbm>>
        %dma_start3A_39 = tpu.memref_squeeze %dma_start3A_38 : memref<1x50000xf32, #tpu.memory_space<hbm>> -> memref<50000xf32, #tpu.memory_space<hbm>>
        tpu.enqueue_dma source(%arg8 : memref<50000xf32, #tpu.memory_space<vmem_shared>>) target(%dma_start3A_39 : memref<50000xf32, #tpu.memory_space<hbm>>) target_semaphore(%run_scoped3A : memref<!tpu.dma_semaphore, #tpu.memory_space<semaphore_mem>>)
        %dma_wait3A = arith.constant 0 : i32
        %dma_wait3A_40 = tpu.memref_slice %arg5[%arg0, %dma_wait3A] : memref<2x50000xf32, #tpu.memory_space<hbm>> -> memref<1x50000xf32, #tpu.memory_space<hbm>>
        %dma_wait3A_41 = tpu.memref_squeeze %dma_wait3A_40 : memref<1x50000xf32, #tpu.memory_space<hbm>> -> memref<50000xf32, #tpu.memory_space<hbm>>
        tpu.wait_dma2 semaphore(%run_scoped3A : memref<!tpu.dma_semaphore, #tpu.memory_space<semaphore_mem>>) src(%arg8 : memref<50000xf32, #tpu.memory_space<vmem_shared>>) dst(%dma_wait3A_41 : memref<50000xf32, #tpu.memory_space<hbm>>)
        tpu.yield
      }) : () -> ()
    } else {
    }
    return
  }
}

#map = affine_map<(d0, d1) -> (0)>
#map1 = affine_map<(d0, d1) -> (0, 0)>
module attributes {stable_mosaic.version = 14 : i64} {
  func.func @_scb_body(%arg0: i32, %arg1: i32, %arg2: memref<72320xf32, #tpu.memory_space<hbm>>, %arg3: memref<400000xi32, #tpu.memory_space<hbm>>, %arg4: memref<50000xf32, #tpu.memory_space<hbm>>, %arg5: memref<2x50000xf32, #tpu.memory_space<hbm>>, %arg6: memref<2272xf32, #tpu.memory_space<vmem>>, %arg7: memref<2272xi32, #tpu.memory_space<vmem>>, %arg8: memref<50000xf32, #tpu.memory_space<vmem_shared>>) attributes {dimension_semantics = [#tpu.dimension_semantics<core_parallel>, #tpu.dimension_semantics<subcore_parallel>], iteration_bounds = array<i64: 2, 16>, scalar_prefetch = 0 : i64, scratch_operands = 3 : i64, tpu.core_type = #tpu.core_type<sc_vector_subcore>, window_params = [{transform_indices = #map}, {transform_indices = #map}, {transform_indices = #map}, {transform_indices = #map1}]} {
    %mul3A = arith.constant 16 : i32
    %mul3A_0 = arith.muli %arg0, %mul3A : i32
    %add3A = arith.addi %mul3A_0, %arg1 : i32
    %eq3A = arith.constant 0 : i32
    %eq3A_1 = arith.cmpi eq, %arg1, %eq3A : i32
    %convert_element_type3A = arith.extui %eq3A_1 : i1 to i32
    %cond3A = arith.constant 0 : i32
    %cond3A_2 = arith.cmpi ne, %convert_element_type3A, %cond3A : i32
    scf.if %cond3A_2 {
      "tpu.region"() ({
        %run_scoped3A = tpu.sem_alloc : memref<!tpu.dma_semaphore, #tpu.memory_space<semaphore_mem>>
        tpu.enqueue_dma source(%arg4 : memref<50000xf32, #tpu.memory_space<hbm>>) target(%arg8 : memref<50000xf32, #tpu.memory_space<vmem_shared>>) target_semaphore(%run_scoped3A : memref<!tpu.dma_semaphore, #tpu.memory_space<semaphore_mem>>)
        tpu.wait_dma2 semaphore(%run_scoped3A : memref<!tpu.dma_semaphore, #tpu.memory_space<semaphore_mem>>) src(%arg4 : memref<50000xf32, #tpu.memory_space<hbm>>) dst(%arg8 : memref<50000xf32, #tpu.memory_space<vmem_shared>>)
        tpu.yield
      }) : () -> ()
    } else {
    }
    %lt3A = arith.constant 31 : i32
    %lt3A_3 = arith.cmpi slt, %add3A, %lt3A : i32
    %convert_element_type3A_4 = arith.extui %lt3A_3 : i1 to i32
    %cond3A_5 = arith.constant 0 : i32
    %cond3A_6 = arith.cmpi ne, %convert_element_type3A_4, %cond3A_5 : i32
    scf.if %cond3A_6 {
      %mul3A_18 = arith.constant 2272 : i32
      %mul3A_19 = arith.muli %add3A, %mul3A_18 : i32
      "tpu.region"() ({
        %run_scoped3A = tpu.sem_alloc : memref<!tpu.dma_semaphore, #tpu.memory_space<semaphore_mem>>
        %dma_start3A = tpu.memref_slice %arg2[%mul3A_19] : memref<72320xf32, #tpu.memory_space<hbm>> -> memref<2272xf32, #tpu.memory_space<hbm>>
        %dma_start3A_24 = tpu.memref_slice %arg2[%mul3A_19] : memref<72320xf32, #tpu.memory_space<hbm>> -> memref<2272xf32, #tpu.memory_space<hbm>>
        tpu.enqueue_dma source(%dma_start3A_24 : memref<2272xf32, #tpu.memory_space<hbm>>) target(%arg6 : memref<2272xf32, #tpu.memory_space<vmem>>) target_semaphore(%run_scoped3A : memref<!tpu.dma_semaphore, #tpu.memory_space<semaphore_mem>>)
        %dma_wait3A = tpu.memref_slice %arg2[%mul3A_19] : memref<72320xf32, #tpu.memory_space<hbm>> -> memref<2272xf32, #tpu.memory_space<hbm>>
        %dma_wait3A_25 = tpu.memref_slice %arg2[%mul3A_19] : memref<72320xf32, #tpu.memory_space<hbm>> -> memref<2272xf32, #tpu.memory_space<hbm>>
        tpu.wait_dma2 semaphore(%run_scoped3A : memref<!tpu.dma_semaphore, #tpu.memory_space<semaphore_mem>>) src(%dma_wait3A_25 : memref<2272xf32, #tpu.memory_space<hbm>>) dst(%arg6 : memref<2272xf32, #tpu.memory_space<vmem>>)
        tpu.yield
      }) : () -> ()
      %mul3A_20 = arith.constant 2272 : i32
      %mul3A_21 = arith.muli %add3A, %mul3A_20 : i32
      %add3A_22 = arith.constant 327680 : i32
      %add3A_23 = arith.addi %add3A_22, %mul3A_21 : i32
      "tpu.region"() ({
        %run_scoped3A = tpu.sem_alloc : memref<!tpu.dma_semaphore, #tpu.memory_space<semaphore_mem>>
        %dma_start3A = tpu.memref_slice %arg3[%add3A_23] : memref<400000xi32, #tpu.memory_space<hbm>> -> memref<2272xi32, #tpu.memory_space<hbm>>
        %dma_start3A_24 = tpu.memref_slice %arg3[%add3A_23] : memref<400000xi32, #tpu.memory_space<hbm>> -> memref<2272xi32, #tpu.memory_space<hbm>>
        tpu.enqueue_dma source(%dma_start3A_24 : memref<2272xi32, #tpu.memory_space<hbm>>) target(%arg7 : memref<2272xi32, #tpu.memory_space<vmem>>) target_semaphore(%run_scoped3A : memref<!tpu.dma_semaphore, #tpu.memory_space<semaphore_mem>>)
        %dma_wait3A = tpu.memref_slice %arg3[%add3A_23] : memref<400000xi32, #tpu.memory_space<hbm>> -> memref<2272xi32, #tpu.memory_space<hbm>>
        %dma_wait3A_25 = tpu.memref_slice %arg3[%add3A_23] : memref<400000xi32, #tpu.memory_space<hbm>> -> memref<2272xi32, #tpu.memory_space<hbm>>
        tpu.wait_dma2 semaphore(%run_scoped3A : memref<!tpu.dma_semaphore, #tpu.memory_space<semaphore_mem>>) src(%dma_wait3A_25 : memref<2272xi32, #tpu.memory_space<hbm>>) dst(%arg7 : memref<2272xi32, #tpu.memory_space<vmem>>)
        tpu.yield
      }) : () -> ()
    } else {
    }
    %eq3A_7 = arith.constant 31 : i32
    %eq3A_8 = arith.cmpi eq, %add3A, %eq3A_7 : i32
    %convert_element_type3A_9 = arith.extui %eq3A_8 : i1 to i32
    %cond3A_10 = arith.constant 0 : i32
    %cond3A_11 = arith.cmpi ne, %convert_element_type3A_9, %cond3A_10 : i32
    scf.if %cond3A_11 {
      "tpu.region"() ({
        %run_scoped3A = tpu.sem_alloc : memref<!tpu.dma_semaphore, #tpu.memory_space<semaphore_mem>>
        %dma_start3A = arith.constant 0 : i32
        %dma_start3A_26 = tpu.memref_slice %arg6[%dma_start3A] : memref<2272xf32, #tpu.memory_space<vmem>> -> memref<1888xf32, #tpu.memory_space<vmem>>
        %dma_start3A_27 = arith.constant 70432 : i32
        %dma_start3A_28 = tpu.memref_slice %arg2[%dma_start3A_27] : memref<72320xf32, #tpu.memory_space<hbm>> -> memref<1888xf32, #tpu.memory_space<hbm>>
        %dma_start3A_29 = arith.constant 0 : i32
        %dma_start3A_30 = tpu.memref_slice %arg6[%dma_start3A_29] : memref<2272xf32, #tpu.memory_space<vmem>> -> memref<1888xf32, #tpu.memory_space<vmem>>
        %dma_start3A_31 = arith.constant 70432 : i32
        %dma_start3A_32 = tpu.memref_slice %arg2[%dma_start3A_31] : memref<72320xf32, #tpu.memory_space<hbm>> -> memref<1888xf32, #tpu.memory_space<hbm>>
        tpu.enqueue_dma source(%dma_start3A_32 : memref<1888xf32, #tpu.memory_space<hbm>>) target(%dma_start3A_30 : memref<1888xf32, #tpu.memory_space<vmem>>) target_semaphore(%run_scoped3A : memref<!tpu.dma_semaphore, #tpu.memory_space<semaphore_mem>>)
        %dma_wait3A = arith.constant 0 : i32
        %dma_wait3A_33 = tpu.memref_slice %arg6[%dma_wait3A] : memref<2272xf32, #tpu.memory_space<vmem>> -> memref<1888xf32, #tpu.memory_space<vmem>>
        %dma_wait3A_34 = arith.constant 70432 : i32
        %dma_wait3A_35 = tpu.memref_slice %arg2[%dma_wait3A_34] : memref<72320xf32, #tpu.memory_space<hbm>> -> memref<1888xf32, #tpu.memory_space<hbm>>
        %dma_wait3A_36 = arith.constant 0 : i32
        %dma_wait3A_37 = tpu.memref_slice %arg6[%dma_wait3A_36] : memref<2272xf32, #tpu.memory_space<vmem>> -> memref<1888xf32, #tpu.memory_space<vmem>>
        %dma_wait3A_38 = arith.constant 70432 : i32
        %dma_wait3A_39 = tpu.memref_slice %arg2[%dma_wait3A_38] : memref<72320xf32, #tpu.memory_space<hbm>> -> memref<1888xf32, #tpu.memory_space<hbm>>
        tpu.wait_dma2 semaphore(%run_scoped3A : memref<!tpu.dma_semaphore, #tpu.memory_space<semaphore_mem>>) src(%dma_wait3A_39 : memref<1888xf32, #tpu.memory_space<hbm>>) dst(%dma_wait3A_37 : memref<1888xf32, #tpu.memory_space<vmem>>)
        tpu.yield
      }) : () -> ()
      "tpu.region"() ({
        %run_scoped3A = tpu.sem_alloc : memref<!tpu.dma_semaphore, #tpu.memory_space<semaphore_mem>>
        %dma_start3A = arith.constant 0 : i32
        %dma_start3A_26 = tpu.memref_slice %arg7[%dma_start3A] : memref<2272xi32, #tpu.memory_space<vmem>> -> memref<1888xi32, #tpu.memory_space<vmem>>
        %dma_start3A_27 = arith.constant 398112 : i32
        %dma_start3A_28 = tpu.memref_slice %arg3[%dma_start3A_27] : memref<400000xi32, #tpu.memory_space<hbm>> -> memref<1888xi32, #tpu.memory_space<hbm>>
        %dma_start3A_29 = arith.constant 0 : i32
        %dma_start3A_30 = tpu.memref_slice %arg7[%dma_start3A_29] : memref<2272xi32, #tpu.memory_space<vmem>> -> memref<1888xi32, #tpu.memory_space<vmem>>
        %dma_start3A_31 = arith.constant 398112 : i32
        %dma_start3A_32 = tpu.memref_slice %arg3[%dma_start3A_31] : memref<400000xi32, #tpu.memory_space<hbm>> -> memref<1888xi32, #tpu.memory_space<hbm>>
        tpu.enqueue_dma source(%dma_start3A_32 : memref<1888xi32, #tpu.memory_space<hbm>>) target(%dma_start3A_30 : memref<1888xi32, #tpu.memory_space<vmem>>) target_semaphore(%run_scoped3A : memref<!tpu.dma_semaphore, #tpu.memory_space<semaphore_mem>>)
        %dma_wait3A = arith.constant 0 : i32
        %dma_wait3A_33 = tpu.memref_slice %arg7[%dma_wait3A] : memref<2272xi32, #tpu.memory_space<vmem>> -> memref<1888xi32, #tpu.memory_space<vmem>>
        %dma_wait3A_34 = arith.constant 398112 : i32
        %dma_wait3A_35 = tpu.memref_slice %arg3[%dma_wait3A_34] : memref<400000xi32, #tpu.memory_space<hbm>> -> memref<1888xi32, #tpu.memory_space<hbm>>
        %dma_wait3A_36 = arith.constant 0 : i32
        %dma_wait3A_37 = tpu.memref_slice %arg7[%dma_wait3A_36] : memref<2272xi32, #tpu.memory_space<vmem>> -> memref<1888xi32, #tpu.memory_space<vmem>>
        %dma_wait3A_38 = arith.constant 398112 : i32
        %dma_wait3A_39 = tpu.memref_slice %arg3[%dma_wait3A_38] : memref<400000xi32, #tpu.memory_space<hbm>> -> memref<1888xi32, #tpu.memory_space<hbm>>
        tpu.wait_dma2 semaphore(%run_scoped3A : memref<!tpu.dma_semaphore, #tpu.memory_space<semaphore_mem>>) src(%dma_wait3A_39 : memref<1888xi32, #tpu.memory_space<hbm>>) dst(%dma_wait3A_37 : memref<1888xi32, #tpu.memory_space<vmem>>)
        tpu.yield
      }) : () -> ()
      %broadcast_in_dim3A = arith.constant 0.000000e+00 : f32
      %broadcast_in_dim3A_18 = vector.broadcast %broadcast_in_dim3A : f32 to vector<16xf32>
      %broadcast_in_dim3A_19 = arith.constant 0 : i32
      %broadcast_in_dim3A_20 = vector.broadcast %broadcast_in_dim3A_19 : i32 to vector<16xi32>
      %scan3A = arith.constant 0 : i32
      %scan3A_21 = arith.constant 118 : i32
      %scan3A_22 = arith.constant 24 : i32
      %scan3A_23 = arith.addi %scan3A_21, %scan3A_22 : i32
      %scan3A_24 = arith.constant 1 : i32
      scf.for %scan3A_26 = %scan3A_21 to %scan3A_23 step %scan3A_24  : i32 {
        %mul3A_27 = arith.constant 16 : i32
        %mul3A_28 = arith.muli %scan3A_26, %mul3A_27 : i32
        %swap3A = arith.index_cast %mul3A_28 : i32 to index
        %swap3A_29 = tpu.vector_load %arg6[%swap3A] {strides = array<i32>} : memref<2272xf32, #tpu.memory_space<vmem>>, vector<16xf32>,
        %swap3A_30 = vector.shape_cast %swap3A_29 : vector<16xf32> to vector<16xf32>
        %swap3A_31 = vector.shape_cast %broadcast_in_dim3A_18 : vector<16xf32> to vector<16xf32>
        tpu.vector_store %arg6[%swap3A], %swap3A_31 {strides = array<i32>} : memref<2272xf32, #tpu.memory_space<vmem>>, vector<16xf32>,
        %swap3A_32 = arith.index_cast %mul3A_28 : i32 to index
        %swap3A_33 = tpu.vector_load %arg7[%swap3A_32] {strides = array<i32>} : memref<2272xi32, #tpu.memory_space<vmem>>, vector<16xi32>,
        %swap3A_34 = vector.shape_cast %swap3A_33 : vector<16xi32> to vector<16xi32>
        %swap3A_35 = vector.shape_cast %broadcast_in_dim3A_20 : vector<16xi32> to vector<16xi32>
        tpu.vector_store %arg7[%swap3A_32], %swap3A_35 {strides = array<i32>} : memref<2272xi32, #tpu.memory_space<vmem>>, vector<16xi32>,
      }
      %scan3A_25 = arith.constant 24 : i32
    } else {
    }
    %barrier3A = arith.constant 0 : index
    tpu.barrier barrier_id(%barrier3A)
    "tpu.region"() ({
      %run_scoped3A = tpu.sem_alloc : memref<!tpu.dma_semaphore, #tpu.memory_space<semaphore_mem>>
      %dma_start3A = arith.constant 0 : i32
      %dma_start3A_18 = tpu.memref_slice %arg8[%dma_start3A] : memref<50000xf32, #tpu.memory_space<vmem_shared>> -> memref<50000xf32, #tpu.memory_space<vmem_shared>>
      tpu.enqueue_indirect_dma source(%arg6 : memref<2272xf32, #tpu.memory_space<vmem>>) target(%dma_start3A_18 : memref<50000xf32, #tpu.memory_space<vmem_shared>>) offsets(%arg7 : memref<2272xi32, #tpu.memory_space<vmem>>) semaphore(%run_scoped3A : memref<!tpu.dma_semaphore, #tpu.memory_space<semaphore_mem>>) {add = true}
      %dma_wait3A = arith.constant 0 : i32
      %dma_wait3A_19 = tpu.memref_slice %arg8[%dma_wait3A] : memref<50000xf32, #tpu.memory_space<vmem_shared>> -> memref<50000xf32, #tpu.memory_space<vmem_shared>>
      tpu.wait_indirect_dma semaphore(%run_scoped3A : memref<!tpu.dma_semaphore, #tpu.memory_space<semaphore_mem>>) src(%arg6 : memref<2272xf32, #tpu.memory_space<vmem>>) dst(%dma_wait3A_19 : memref<50000xf32, #tpu.memory_space<vmem_shared>>)
      tpu.yield
    }) : () -> ()
    %barrier3A_12 = arith.constant 0 : index
    tpu.barrier barrier_id(%barrier3A_12)
    %eq3A_13 = arith.constant 0 : i32
    %eq3A_14 = arith.cmpi eq, %arg1, %eq3A_13 : i32
    %convert_element_type3A_15 = arith.extui %eq3A_14 : i1 to i32
    %cond3A_16 = arith.constant 0 : i32
    %cond3A_17 = arith.cmpi ne, %convert_element_type3A_15, %cond3A_16 : i32
    scf.if %cond3A_17 {
      "tpu.region"() ({
        %run_scoped3A = tpu.sem_alloc : memref<!tpu.dma_semaphore, #tpu.memory_space<semaphore_mem>>
        %dma_start3A = arith.constant 0 : i32
        %dma_start3A_18 = tpu.memref_slice %arg5[%arg0, %dma_start3A] : memref<2x50000xf32, #tpu.memory_space<hbm>> -> memref<1x50000xf32, #tpu.memory_space<hbm>>
        %dma_start3A_19 = tpu.memref_squeeze %dma_start3A_18 : memref<1x50000xf32, #tpu.memory_space<hbm>> -> memref<50000xf32, #tpu.memory_space<hbm>>
        tpu.enqueue_dma source(%arg8 : memref<50000xf32, #tpu.memory_space<vmem_shared>>) target(%dma_start3A_19 : memref<50000xf32, #tpu.memory_space<hbm>>) target_semaphore(%run_scoped3A : memref<!tpu.dma_semaphore, #tpu.memory_space<semaphore_mem>>)
        %dma_wait3A = arith.constant 0 : i32
        %dma_wait3A_20 = tpu.memref_slice %arg5[%arg0, %dma_wait3A] : memref<2x50000xf32, #tpu.memory_space<hbm>> -> memref<1x50000xf32, #tpu.memory_space<hbm>>
        %dma_wait3A_21 = tpu.memref_squeeze %dma_wait3A_20 : memref<1x50000xf32, #tpu.memory_space<hbm>> -> memref<50000xf32, #tpu.memory_space<hbm>>
        tpu.wait_dma2 semaphore(%run_scoped3A : memref<!tpu.dma_semaphore, #tpu.memory_space<semaphore_mem>>) src(%arg8 : memref<50000xf32, #tpu.memory_space<vmem_shared>>) dst(%dma_wait3A_21 : memref<50000xf32, #tpu.memory_space<hbm>>)
        tpu.yield
      }) : () -> ()
    } else {
    }
    return
  }
}

module attributes {stable_mosaic.version = 14 : i64} {
  func.func @_tc1_body(%arg0: i32, %arg1: memref<105x16384xf32, #tpu.memory_space<vmem>>, %arg2: memref<16384xf32, #tpu.memory_space<vmem>>) attributes {dimension_semantics = [#tpu.dimension_semantics<arbitrary>], iteration_bounds = array<i64: 20>, scalar_prefetch = 0 : i64, scratch_operands = 0 : i64, tpu.core_type = #tpu.core_type<tc>, window_params = [{transform_indices = @transform_0, window_bounds = array<i64: 105, 16384>}, {transform_indices = @transform_1, window_bounds = array<i64: 16384>}]} {
    %get3A = arith.constant 0 : index
    %get3A_0 = arith.constant 0 : index
    %get3A_1 = vector.load %arg1[%get3A, %get3A_0] : memref<105x16384xf32, #tpu.memory_space<vmem>>, vector<105x16384xf32>
    %exp3A = math.exp %get3A_1 : vector<105x16384xf32>
    %reduce_sum3A = arith.constant dense<0.000000e+00> : vector<16384xf32>
    %reduce_sum3A_2 = vector.multi_reduction <add>, %exp3A, %reduce_sum3A [0] : vector<105x16384xf32> to vector<16384xf32>
    %swap3A = arith.constant 0 : index
    %swap3A_3 = vector.load %arg2[%swap3A] : memref<16384xf32, #tpu.memory_space<vmem>>, vector<16384xf32>
    tpu.vector_store %arg2[%swap3A], %reduce_sum3A_2 {strides = array<i32>} : memref<16384xf32, #tpu.memory_space<vmem>>, vector<16384xf32>,
    return
  }
  func.func @transform_0(%arg0: i32) -> (i32, i32) {
    %add3A = arith.constant 0 : i32
    %add3A_0 = arith.addi %arg0, %add3A : i32
    %c0_i32 = arith.constant 0 : i32
    %c0_i32_1 = arith.constant 0 : i32
    return %c0_i32, %add3A_0 : i32, i32
  }
  func.func @transform_1(%arg0: i32) -> i32 {
    %c0_i32 = arith.constant 0 : i32
    return %arg0 : i32
  }
}

module attributes {stable_mosaic.version = 14 : i64} {
  func.func @_tc1_body(%arg0: i32, %arg1: memref<105x16384xf32, #tpu.memory_space<vmem>>, %arg2: memref<16384xf32, #tpu.memory_space<vmem>>) attributes {dimension_semantics = [#tpu.dimension_semantics<arbitrary>], iteration_bounds = array<i64: 5>, scalar_prefetch = 0 : i64, scratch_operands = 0 : i64, tpu.core_type = #tpu.core_type<tc>, window_params = [{transform_indices = @transform_0, window_bounds = array<i64: 105, 16384>}, {transform_indices = @transform_1, window_bounds = array<i64: 16384>}]} {
    %get3A = arith.constant 0 : index
    %get3A_0 = arith.constant 0 : index
    %get3A_1 = vector.load %arg1[%get3A, %get3A_0] : memref<105x16384xf32, #tpu.memory_space<vmem>>, vector<105x16384xf32>
    %exp3A = math.exp %get3A_1 : vector<105x16384xf32>
    %reduce_sum3A = arith.constant dense<0.000000e+00> : vector<16384xf32>
    %reduce_sum3A_2 = vector.multi_reduction <add>, %exp3A, %reduce_sum3A [0] : vector<105x16384xf32> to vector<16384xf32>
    %swap3A = arith.constant 0 : index
    %swap3A_3 = vector.load %arg2[%swap3A] : memref<16384xf32, #tpu.memory_space<vmem>>, vector<16384xf32>
    tpu.vector_store %arg2[%swap3A], %reduce_sum3A_2 {strides = array<i32>} : memref<16384xf32, #tpu.memory_space<vmem>>, vector<16384xf32>,
    return
  }
  func.func @transform_0(%arg0: i32) -> (i32, i32) {
    %add3A = arith.constant 20 : i32
    %add3A_0 = arith.addi %arg0, %add3A : i32
    %c0_i32 = arith.constant 0 : i32
    %c0_i32_1 = arith.constant 0 : i32
    return %c0_i32, %add3A_0 : i32, i32
  }
  func.func @transform_1(%arg0: i32) -> i32 {
    %c0_i32 = arith.constant 0 : i32
    return %arg0 : i32
  }
}

module attributes {stable_mosaic.version = 14 : i64} {
  func.func @_tc2_body(%arg0: memref<2x50000xf32, #tpu.memory_space<vmem>>, %arg1: memref<2x50000xf32, #tpu.memory_space<vmem>>, %arg2: memref<2x50000xf32, #tpu.memory_space<vmem>>, %arg3: memref<1x50000xf32, #tpu.memory_space<vmem>>, %arg4: memref<1x50000xf32, #tpu.memory_space<vmem>>, %arg5: memref<1x50000xf32, #tpu.memory_space<vmem>>, %arg6: memref<1x1xf32, #tpu.memory_space<smem>>, %arg7: memref<1x1xf32, #tpu.memory_space<smem>>, %arg8: memref<1x1xf32, #tpu.memory_space<smem>>) attributes {dimension_semantics = [], scalar_prefetch = 0 : i64, scratch_operands = 0 : i64, tpu.core_type = #tpu.core_type<tc>} {
    %get3A = arith.constant 0 : index
    %get3A_0 = arith.constant 0 : index
    %get3A_1 = vector.load %arg0[%get3A, %get3A_0] : memref<2x50000xf32, #tpu.memory_space<vmem>>, vector<2x50000xf32>
    %reduce_sum3A = arith.constant dense<0.000000e+00> : vector<50000xf32>
    %reduce_sum3A_2 = vector.multi_reduction <add>, %get3A_1, %reduce_sum3A [0] : vector<2x50000xf32> to vector<50000xf32>
    %broadcast_in_dim3A = vector.shape_cast %reduce_sum3A_2 : vector<50000xf32> to vector<1x50000xf32>
    %add3A = arith.constant 2.500000e-05 : f32
    %add3A_3 = vector.broadcast %add3A : f32 to vector<1x50000xf32>
    %add3A_4 = arith.addf %broadcast_in_dim3A, %add3A_3 : vector<1x50000xf32>
    %log3A = math.log %add3A_4 : vector<1x50000xf32>
    %get3A_5 = arith.constant 0 : index
    %get3A_6 = arith.constant 0 : index
    %get3A_7 = vector.load %arg1[%get3A_5, %get3A_6] : memref<2x50000xf32, #tpu.memory_space<vmem>>, vector<2x50000xf32>
    %reduce_sum3A_8 = arith.constant dense<0.000000e+00> : vector<50000xf32>
    %reduce_sum3A_9 = vector.multi_reduction <add>, %get3A_7, %reduce_sum3A_8 [0] : vector<2x50000xf32> to vector<50000xf32>
    %broadcast_in_dim3A_10 = vector.shape_cast %reduce_sum3A_9 : vector<50000xf32> to vector<1x50000xf32>
    %get3A_11 = arith.constant 0 : index
    %get3A_12 = arith.constant 0 : index
    %get3A_13 = vector.load %arg2[%get3A_11, %get3A_12] : memref<2x50000xf32, #tpu.memory_space<vmem>>, vector<2x50000xf32>
    %reduce_sum3A_14 = arith.constant dense<0.000000e+00> : vector<50000xf32>
    %reduce_sum3A_15 = vector.multi_reduction <add>, %get3A_13, %reduce_sum3A_14 [0] : vector<2x50000xf32> to vector<50000xf32>
    %broadcast_in_dim3A_16 = vector.shape_cast %reduce_sum3A_15 : vector<50000xf32> to vector<1x50000xf32>
    %add3A_17 = arith.addf %broadcast_in_dim3A_10, %broadcast_in_dim3A_16 : vector<1x50000xf32>
    %get3A_18 = arith.constant 0 : index
    %get3A_19 = arith.constant 0 : index
    %get3A_20 = vector.load %arg3[%get3A_18, %get3A_19] : memref<1x50000xf32, #tpu.memory_space<vmem>>, vector<1x50000xf32>
    %exp3A = math.exp %get3A_20 : vector<1x50000xf32>
    %add3A_21 = arith.addf %add3A_17, %exp3A : vector<1x50000xf32>
    %get3A_22 = arith.constant 0 : index
    %get3A_23 = arith.constant 0 : index
    %get3A_24 = vector.load %arg5[%get3A_22, %get3A_23] : memref<1x50000xf32, #tpu.memory_space<vmem>>, vector<1x50000xf32>
    %get3A_25 = arith.constant 0 : index
    %get3A_26 = arith.constant 0 : index
    %get3A_27 = vector.load %arg4[%get3A_25, %get3A_26] : memref<1x50000xf32, #tpu.memory_space<vmem>>, vector<1x50000xf32>
    %add3A_28 = arith.constant 2.500000e-05 : f32
    %add3A_29 = vector.broadcast %add3A_28 : f32 to vector<1x50000xf32>
    %add3A_30 = arith.addf %add3A_29, %get3A_27 : vector<1x50000xf32>
    %sub3A = arith.constant 1.000000e+00 : f32
    %sub3A_31 = vector.broadcast %sub3A : f32 to vector<1x50000xf32>
    %sub3A_32 = arith.subf %sub3A_31, %get3A_24 : vector<1x50000xf32>
    %mul3A = arith.mulf %add3A_21, %sub3A_32 : vector<1x50000xf32>
    %add3A_33 = arith.addf %add3A_30, %mul3A : vector<1x50000xf32>
    %log3A_34 = math.log %add3A_33 : vector<1x50000xf32>
    %sub3A_35 = arith.subf %log3A, %log3A_34 : vector<1x50000xf32>
    %integer_pow3A = arith.mulf %sub3A_35, %sub3A_35 : vector<1x50000xf32>
    %mul3A_36 = arith.mulf %integer_pow3A, %get3A_24 : vector<1x50000xf32>
    %reduce_sum3A_37 = vector.shape_cast %mul3A_36 : vector<1x50000xf32> to vector<1x1x50000xf32>
    %reduce_sum3A_38 = arith.constant dense<0.000000e+00> : vector<1xf32>
    %reduce_sum3A_39 = vector.multi_reduction <add>, %reduce_sum3A_37, %reduce_sum3A_38 [1, 2] : vector<1x1x50000xf32> to vector<1xf32>
    %reduce_sum3A_40 = vector.shape_cast %reduce_sum3A_39 : vector<1xf32> to vector<1x1x1xf32>
    %reduce_sum3A_41 = vector.extract %reduce_sum3A_40[0, 0, 0] : f32 from vector<1x1x1xf32>
    %reduce_sum3A_42 = vector.shape_cast %get3A_24 : vector<1x50000xf32> to vector<1x1x50000xf32>
    %reduce_sum3A_43 = arith.constant dense<0.000000e+00> : vector<1xf32>
    %reduce_sum3A_44 = vector.multi_reduction <add>, %reduce_sum3A_42, %reduce_sum3A_43 [1, 2] : vector<1x1x50000xf32> to vector<1xf32>
    %reduce_sum3A_45 = vector.shape_cast %reduce_sum3A_44 : vector<1xf32> to vector<1x1x1xf32>
    %reduce_sum3A_46 = vector.extract %reduce_sum3A_45[0, 0, 0] : f32 from vector<1x1x1xf32>
    %add3A_47 = arith.constant 9.99999968E-21 : f32
    %add3A_48 = arith.addf %reduce_sum3A_46, %add3A_47 : f32
    %div3A = arith.divf %reduce_sum3A_41, %add3A_48 : f32
    %sub3A_49 = arith.constant 1.000000e+00 : f32
    %sub3A_50 = vector.broadcast %sub3A_49 : f32 to vector<1x50000xf32>
    %sub3A_51 = arith.subf %sub3A_50, %get3A_24 : vector<1x50000xf32>
    %mul3A_52 = arith.mulf %integer_pow3A, %sub3A_51 : vector<1x50000xf32>
    %reduce_sum3A_53 = vector.shape_cast %mul3A_52 : vector<1x50000xf32> to vector<1x1x50000xf32>
    %reduce_sum3A_54 = arith.constant dense<0.000000e+00> : vector<1xf32>
    %reduce_sum3A_55 = vector.multi_reduction <add>, %reduce_sum3A_53, %reduce_sum3A_54 [1, 2] : vector<1x1x50000xf32> to vector<1xf32>
    %reduce_sum3A_56 = vector.shape_cast %reduce_sum3A_55 : vector<1xf32> to vector<1x1x1xf32>
    %reduce_sum3A_57 = vector.extract %reduce_sum3A_56[0, 0, 0] : f32 from vector<1x1x1xf32>
    %sub3A_58 = arith.constant 1.000000e+00 : f32
    %sub3A_59 = vector.broadcast %sub3A_58 : f32 to vector<1x50000xf32>
    %sub3A_60 = arith.subf %sub3A_59, %get3A_24 : vector<1x50000xf32>
    %reduce_sum3A_61 = vector.shape_cast %sub3A_60 : vector<1x50000xf32> to vector<1x1x50000xf32>
    %reduce_sum3A_62 = arith.constant dense<0.000000e+00> : vector<1xf32>
    %reduce_sum3A_63 = vector.multi_reduction <add>, %reduce_sum3A_61, %reduce_sum3A_62 [1, 2] : vector<1x1x50000xf32> to vector<1xf32>
    %reduce_sum3A_64 = vector.shape_cast %reduce_sum3A_63 : vector<1xf32> to vector<1x1x1xf32>
    %reduce_sum3A_65 = vector.extract %reduce_sum3A_64[0, 0, 0] : f32 from vector<1x1x1xf32>
    %add3A_66 = arith.constant 9.99999968E-21 : f32
    %add3A_67 = arith.addf %reduce_sum3A_65, %add3A_66 : f32
    %div3A_68 = arith.divf %reduce_sum3A_57, %add3A_67 : f32
    %mul3A_69 = arith.constant 1.000000e+01 : f32
    %mul3A_70 = arith.mulf %div3A, %mul3A_69 : f32
    %add3A_71 = arith.addf %mul3A_70, %div3A_68 : f32
    %swap3A = arith.constant 0 : index
    %swap3A_72 = arith.constant 0 : index
    %swap3A_73 = memref.load %arg6[%swap3A, %swap3A_72] : memref<1x1xf32, #tpu.memory_space<smem>>
    memref.store %add3A_71, %arg6[%swap3A, %swap3A_72] : memref<1x1xf32, #tpu.memory_space<smem>>
    %swap3A_74 = arith.constant 0 : index
    %swap3A_75 = arith.constant 0 : index
    %swap3A_76 = memref.load %arg7[%swap3A_74, %swap3A_75] : memref<1x1xf32, #tpu.memory_space<smem>>
    memref.store %div3A, %arg7[%swap3A_74, %swap3A_75] : memref<1x1xf32, #tpu.memory_space<smem>>
    %swap3A_77 = arith.constant 0 : index
    %swap3A_78 = arith.constant 0 : index
    %swap3A_79 = memref.load %arg8[%swap3A_77, %swap3A_78] : memref<1x1xf32, #tpu.memory_space<smem>>
    memref.store %div3A_68, %arg8[%swap3A_77, %swap3A_78] : memref<1x1xf32, #tpu.memory_space<smem>>
    return
  }
}

</mosaic_0001>

<sc_bundles>
// kernel: kernel.11.cloned.1.call-start
scs
__scs_entry_jumppad:
0x0: {  	(pc) =	sbr.rel $0x88, $3  }
0x1: {  	(tag) =	ssettag $0x0;
	lr =	simm.s32 $0x1  }
0x2: {  	[smem:$0x3F9A] =	sst lr;
	_ =	strace $0xD0000000  }
0x3: {  	_ = 	snop  }
0x4: {  	_ = 	snop  }
0x5: {  	_ = 	snop  }
0x6: {  	_ = 	snop  }
0x7: {  	_ = 	snop  }
__scs_overlays_trampoline_lowered:
0x8: {  	[smem:$0x3FA9] =	sst s0  }
0x9: {  	[smem:$0x3FAA] =	sst s1  }
0xa: {  	[smem:$0x3FAB] =	sst s2  }
0xb: {  	[smem:$0x3FAC] =	sst s3  }
0xc: {  	[smem:$0x3FAD] =	sst s4  }
0xd: {  	[smem:$0x3FAE] =	sst s5  }
0xe: {  	[smem:$0x3FAF] =	sst s6  }
0xf: {  	[smem:$0x3FB0] =	sst s7  }
0x10: {  	[smem:$0x3FB1] =	sst s8  }
0x11: {  	[smem:$0x3FB2] =	sst s9;
	s0 =	simm.s32 @!p0 $0x0  }
0x12: {  	s1 =	sld [smem:$0x3F98];
	s0 =	simm.s32 @p0 $0x1  }
0x13: {  	[smem:$0x3FB3] =	sst s0;
	s0 =	simm.s32 @!p1 $0x0  }
0x14: {  	s2 =	sld [smem:$0x3F97];
	s0 =	simm.s32 @p1 $0x1  }
0x15: {  	[smem:$0x3FB4] =	sst s0;
	s0 =	simm.s32 @!p2 $0x0  }
0x16: {  	s3 =	sld [smem:$0x3FDB];
	s0 =	simm.s32 @p2 $0x1  }
0x17: {  	s4 =	simm.s32 $0x1BF5;
	[smem:$0x3FB6] =	sst s0  }
0x18: {  	s0 =	sld [smem:$0x3F99];
	_ =	swait.ge [sflag:s4], $0x0  }
0x19: {  	s7 =	sld [smem:$0x3F9A]  }
0x1a: {  	s8 =	sadd.s32 $0xFFFFE003, lr  }
0x1b: {  	s9 =	sadd.s32 $0xFFFFFEF7, lr;
	s5 =	simm.s32 $0xFFFFFFFF;
	p2 =	slt.u32 s8, $0xFFFFF086  }
0x1c: {  	p1 =	slt.u32 s9, $0xF7A;
	s5 =	simm.s32 @!p2 $0x0  }
0x1d: {  	s5 =	simm.s32 @p1 $0x1;
	p0 =	seq.s32 s7, s2  }
0x1e: {  	s7 =	smul.u32 @!p0 $0xF7A, s2;
	p2 =	seq.s32 @!p0 s5, $0x0  }
0x1f: {  	s9 =	smul.u32 $0xF7A, s1;
	s8 =	simm.s32 @!p0 $0x1BF5;
	p2 =	por !p2, p0  }
0x20: {  	[sflag:s8] =	ssyncset.s32 @!p0 $0xFFFFF086;
	s6 =	sadd.s32 @!p0 s3, s7;
	s7 =	simm.s32 @!p0 $0x108  }
0x21: {  	s3 =	sadd.s32 s3, s9;
	s6 =	sadd.s32 @!p0 $0x88, s6;
	s7 =	simm.s32 @p2 $0x1082  }
0x22: {  	[simem:s7], [sflag:s8] =	dma.local @!p0 [hbm:s6], $0xF7A  }
0x23: {  	s9 =	sor.u32 $0xD0000000, s2;
	s6 =	simm.s32 $0x108;
	_ =	swait.ge @!p0 [sflag:s8], $0x0  }
0x24: {  	s3 =	sadd.s32 $0x88, s3;
	s6 =	simm.s32 @!p1 $0x1082;
	[sflag:s4] =	ssyncset.s32 $0xFFFFF086  }
0x25: {  	[simem:s6], [sflag:s4] =	dma.local [hbm:s3], $0xF7A  }
0x26: {  	[smem:$0x3F9A] =	sst s1;
	(tag) =	ssettag s2;
	_ =	strace s9  }
0x27: {  	s1 =	sld [smem:$0x3FAA]  }
0x28: {  	s2 =	sld [smem:$0x3FAB]  }
0x29: {  	s4 =	sld [smem:$0x3FAD]  }
0x2a: {  	p0 =	seq.s32 s5, $0x0;
	s5 =	sld [smem:$0x3FAE]  }
0x2b: {  	s6 =	sld [smem:$0x3FAF]  }
0x2c: {  	s7 =	sld [smem:$0x3FB0]  }
0x2d: {  	s3 =	simm.s32 $0x108;
	s8 =	sld [smem:$0x3FB1]  }
0x2e: {  	s3 =	simm.s32 @!p0 $0x1082;
	s9 =	sld [smem:$0x3FB2]  }
0x2f: {  	lr =	sadd.s32 s0, s3;
	s0 =	sld [smem:$0x3FA9]  }
0x30: {  	s3 =	sld [smem:$0x3FAC]  }
0x31: {  	[smem:$0x3FB5] =	sst s10  }
0x32: {  	s10 =	sld [smem:$0x3FB3];
	_ =	sdelay $0x3  }
0x33: {  	p0 =	seq.s32 s10, $0x1;
	s10 =	sld [smem:$0x3FB5];
	_ =	sdelay $0x3  }
0x34: {  	[smem:$0x3FB5] =	sst s10  }
0x35: {  	s10 =	sld [smem:$0x3FB4];
	_ =	sdelay $0x3  }
0x36: {  	p1 =	seq.s32 s10, $0x1;
	s10 =	sld [smem:$0x3FB5];
	_ =	sdelay $0x3  }
0x37: {  	[smem:$0x3FB5] =	sst s10  }
0x38: {  	s10 =	sld [smem:$0x3FB6]  }
0x39: {  	_ = 	snop;
	(pc) =	sbr.ind lr, $3  }
0x3a: {  	_ = 	snop  }
0x3b: {  	_ = 	snop  }
0x3c: {  	p2 =	seq.s32 s10, $0x1;
	s10 =	sld [smem:$0x3FB5]  }
0x3d: {  	_ =	shalt  }
0x3e: {  	_ =	shalt  }
0x3f: {  	_ =	shalt  }
0x40: {  	_ =	shalt  }
0x41: {  	_ =	shalt  }
0x42: {  	_ =	shalt  }
0x43: {  	_ =	shalt  }
0x44: {  	_ =	shalt  }
0x45: {  	_ =	shalt  }
0x46: {  	_ =	shalt  }
0x47: {  	_ =	shalt  }
0x48: {  	_ =	shalt  }
0x49: {  	_ =	shalt  }
0x4a: {  	_ =	shalt  }
0x4b: {  	_ =	shalt  }
0x4c: {  	_ =	shalt  }
0x4d: {  	_ =	shalt  }
0x4e: {  	_ =	shalt  }
0x4f: {  	_ =	shalt  }
0x50: {  	_ =	shalt  }
0x51: {  	_ =	shalt  }
0x52: {  	_ =	shalt  }
0x53: {  	_ =	shalt  }
0x54: {  	_ =	shalt  }
0x55: {  	_ =	shalt  }
0x56: {  	_ =	shalt  }
0x57: {  	_ =	shalt  }
0x58: {  	_ =	shalt  }
0x59: {  	_ =	shalt  }
0x5a: {  	_ =	shalt  }
0x5b: {  	_ =	shalt  }
0x5c: {  	_ =	shalt  }
0x5d: {  	_ =	shalt  }
0x5e: {  	_ =	shalt  }
0x5f: {  	_ =	shalt  }
0x60: {  	_ =	shalt  }
0x61: {  	_ =	shalt  }
0x62: {  	_ =	shalt  }
0x63: {  	_ =	shalt  }
0x64: {  	_ =	shalt  }
0x65: {  	_ =	shalt  }
0x66: {  	_ =	shalt  }
0x67: {  	_ =	shalt  }
0x68: {  	_ =	shalt  }
0x69: {  	_ =	shalt  }
0x6a: {  	_ =	shalt  }
0x6b: {  	_ =	shalt  }
0x6c: {  	_ =	shalt  }
0x6d: {  	_ =	shalt  }
0x6e: {  	_ =	shalt  }
0x6f: {  	_ =	shalt  }
0x70: {  	_ =	shalt  }
0x71: {  	_ =	shalt  }
0x72: {  	_ =	shalt  }
0x73: {  	_ =	shalt  }
0x74: {  	_ =	shalt  }
0x75: {  	_ =	shalt  }
0x76: {  	_ =	shalt  }
0x77: {  	_ =	shalt  }
0x78: {  	_ =	shalt  }
0x79: {  	_ =	shalt  }
0x7a: {  	_ =	shalt  }
0x7b: {  	_ =	shalt  }
0x7c: {  	_ =	shalt  }
0x7d: {  	_ =	shalt  }
0x7e: {  	_ =	shalt  }
0x7f: {  	_ =	shalt  }
0x80: {  	_ =	shalt  }
0x81: {  	_ =	shalt  }
0x82: {  	_ =	shalt  }
0x83: {  	_ =	shalt  }
0x84: {  	_ =	shalt  }
0x85: {  	_ =	shalt  }
0x86: {  	_ =	shalt  }
0x87: {  	_ =	shalt  }
.Lfunc_end0:
.L_simem_size_0:
called_computation.1_lowered:
.L_overlay_start_0:
0x88: {  	s2 =	sld [smem:$0x3FD9]  }
0x89: {  	s3 =	sld [smem:$0x3FFE];
	_ =	sdelay $0x1  }
0x8a: {  	s1 =	srdreg.scid  }
0x8b: {  	s0 =	sand.u32 $0x1, s1  }
0x8c: {  	s17 =	sshll.u32 s0, $0xA;
	s2 =	sadd.s32 s3, s2  }
0x8d: {  	s2 =	sadd.s32 s2, s17  }
0x8e: {  	[smem:$0x3FC1] =	sst s2  }
0x8f: {  	_ = 	snop  }
0x90: {  	s2 =	sld [smem:$0x3FC3];
	(tm) =	ssettm $0x1  }
0x91: {  	s18 =	sld [smem:$0x3FFB];
	_ =	sdelay $0x3  }
0x92: {  	_ =	strace s18  }
0x93: {  	s3 =	sld [smem:$0x3FFC];
	_ =	sdelay $0x3  }
0x94: {  	_ =	strace s3  }
0x95: {  	s3 =	sld [smem:$0x3FFD];
	_ =	sdelay $0x3  }
0x96: {  	_ =	strace s3  }
0x97: {  	_ =	strace $0x8FFFFFFF  }
0x98: {  	s19 =	sld [smem:$0x3FDB];
	_ =	sdelay $0x1  }
0x99: {  	s4 =	simm.s32 $_scs_section_size  }
0x9a: {  	s5 =	simm.s32 $_size__tile_overlayer_lowered;
	s6 =	simm.s32 $_tile_overlayer_lowered  }
0x9b: {  	s22 =	simm.s32 $0x1BFF;
	s21 =	sshll.u32 s6, $0x1;
	s3 =	sadd.s32 s4, s19  }
0x9c: {  	s7 =	simm.s32 $0x0;
	s20 =	sshll.u32 s5, $0x1;
	s5 =	sadd.s32 s21, s3  }
0x9d: {  	[timem:s7], [sflag:s22] =	dma.local [hbm:s5], s20  }
0x9e: {  	_ =	swait.ge [sflag:s22], s20  }
0x9f: {  	s4 =	ssub.s32 $0x0, s20;
	[sflag:s22] =	ssyncset.done $0x0  }
0xa0: {  	[sflag:s22] =	ssyncadd.s32 s4;
	_ =	sdelay $0x1  }
0xa1: {  	s23 =	simm.s32 $0x1B8B  }
0xa2: {  	_ =	swait.ge [sflag:s23], $0x1  }
0xa3: {  	[sflag:s23] =	ssyncset.done $0x0  }
0xa4: {  	s25 =	simm.s32 $0x1B8E;
	s24 =	sld [smem:$0x3FFE];
	[sflag:s23] =	ssyncadd.s32 $0xFFFFFFFF  }
0xa5: {  	s26 =	simm.s32 $execute0_lowered;
	[smem:$0x3FD2] =	sst s25  }
0xa6: {  	s5 =	sshll.u32 s26, $0x1;
	_ =	strace $0x80000049;
	[dreg:$0x1] =	wrdreg $0xFFFFFFFF  }
0xa7: {  	s28 =	simm.s32 $_size_execute0_lowered;
	s3 =	sadd.s32 s3, s5;
	[dreg:$0x0] =	wrdreg $0x0  }
0xa8: {  	s5 =	sshll.u32 s28, $0x1;
	[dreg:$0x2] =	wrdreg s3  }
0xa9: {  	[dreg:$0x3] =	wrdreg s5  }
0xaa: {  	[dreg:$0x4] =	wrdreg $0xC0  }
0xab: {  	_ =	task [dreg:s7], $0x5FFFF  }
0xac: {  	[dreg:$0x1] =	wrdreg $0xFFFFFFFF  }
0xad: {  	[dreg:$0x0] =	wrdreg $0x60  }
0xae: {  	[dreg:$0x2] =	wrdreg s24  }
0xaf: {  	[dreg:$0x3] =	wrdreg s2  }
0xb0: {  	[dreg:$0x4] =	wrdreg $0x50000  }
0xb1: {  	[dreg:$0x5] =	wrdreg $0x9  }
0xb2: {  	_ =	task.clear_ibuf [dreg:s7], $0x6FFFF;
	_ =	strace $0x90000049  }
0xb3: {  	s29 =	simm.s32 $0x9;
	_ =	strace $0x8000004B  }
0xb4: {  	_ =	swait.ge [sflag:s29], $0x1  }
0xb5: {  	[sflag:s29] =	ssyncadd.s32 $0xFFFFFFFF  }
0xb6: {  	_ =	strace $0x9000004B  }
0xb7: {  	_ =	sfence  }
0xb8: {  	s30 =	sld [smem:$0x0];
	_ =	sdelay $0x2  }
0xb9: {  	s31 =	sshll.u32 s1, $0xD;
	s1 =	sshrl.u32 s1, $0x2  }
0xba: {  	s3 =	sand.u32 $0x4000, s31;
	s1 =	sadd.s32 s1, s30  }
0xbb: {  	s0 =	sor.u32 s3, s0;
	s1 =	sshll.u32 s1, $0x11  }
0xbc: {  	s0 =	sor.u32 s1, s0  }
0xbd: {  	s0 =	sadd.s32 $0x8F2B, s0  }
0xbe: {  	[sflag:s0] =	ssyncadd.remote.s32 $0x1  }
0xbf: {  	_ =	sfence.sel $0xFFFF  }
0xc0: {  	[dreg:$0x0] =	wrdreg $0xFFFFFFFF;
	(pc) =	sbr.abs _section_cstart, $3  }
0xc1: {  	[dreg:$0x1] =	wrdreg $0xFFFFFFFF  }
0xc2: {  	_ =	task.clear_ibuf [dreg:s7], $0x2FFFF;
	_ =	strace $0x9FFFFFFF  }
0xc3: {  	(tm) =	ssettm $0x7FFFFFFF  }
tec
execute0_lowered:
.L_overlay_start_1:
0x0: {  	(tag) =	ssettag $0x1  }
0x1: {  	s0 =	srdreg.scid  }
0x2: {  	s5 =	sand.u32 $0x1, s0  }
0x3: {  	s6 =	sshll.u32 s5, $0x4;
	s5 =	ssub.s32 $0x2, s5  }
0x4: {  	s31 =	sshrl.u32 s5, $0x1  }
0x5: {  	s3 =	rddreg [dreg:$0x0];
	s5 =	ssub.s32 s5, s31  }
0x6: {  	s4 =	rddreg [dreg:$0x1];
	s8 =	stileid.u32;
	s5 =	smax.u32 s5, $0x1  }
0x7: {  	s1 =	rddreg [dreg:$0x2];
	s7 =	sor.u32 s8, s6;
	s12 =	sadd.s32 $0xFFFFFFFF, s5  }
0x8: {  	s2 =	simm.s32 $0x0;
	s10 =	smul.u32 $0x500, s7;
	p2 =	sne.s32 s12, $0x0  }
.Ltmp0:
0x9: {  	p1 =	por $0x0, $0x0;
	s0 =	rddreg [dreg:$0x3];
	(pc) =	sbr.rel @!p2 .LBB2_3-.Ltmp0, $4  }
0xa: {  	[smem:$0x7FF] =	sst s2;
	s9 =	sadd.s32 $0x1E00, s3;
	p0 =	sne.s32 s8, $0x0  }
0xb: {  	_ =	strace $0x8000004A;
	s8 =	simm.s32 $0x2800;
	s11 =	sadd.s32 s10, s3  }
0xc: {  	s3 =	sadd.s32 s6, s3;
	s6 =	sadd.s32 s4, s10;
	s4 =	sshrl.u32 @!p0 s1, $0x3  }
0xd: {  	s5 =	simm.s32 $0x1;
	s7 =	sadd.s32 $0x6A00, s11;
	s3 =	sadd.s32 $0x10A00, s3  }
0xe: {  	s11 =	simm.s32 @!p0 $0x1C01;
	s10 =	simm.s32 @!p0 $0x1  }
0xf: {  	[spmem:s4], [sflag:s11] =	dma.local @!p0 [hbm:s9], $0x1870  }
0x10: {  	_ =	swait.ge @!p0 [sflag:s10], $0x1870  }
0x11: {  	[sflag:s10] =	ssyncset.done @!p0 $0x0  }
0x12: {  	[sflag:s10] =	ssyncadd.s32 @!p0 $0xFFFFE790  }
0x13: {  	[tilespmem:s2], [sflag:$0x1] =	stream.linear.gather [hbm4b:s7+s2], $0x2800, $0x38;
	[tilespmem:$0x5C38] =	vst v63  }
0x14: {  	_ =	swait.ge [sflag:s5], $0x2800  }
0x15: {  	[sflag:s5] =	ssyncset.done $0x0  }
0x16: {  	[sflag:s5] =	ssyncadd.s32 $0xFFFFD800  }
0x17: {  	[tilespmem:s8], [sflag:$0x1] =	stream.linear.gather [hbm4b:s6+s2], $0x2800, $0x38;
	[tilespmem:$0x5C38] =	vst v63  }
0x18: {  	_ =	swait.ge [sflag:s5], $0x2800  }
0x19: {  	[sflag:s5] =	ssyncset.done $0x0  }
0x1a: {  	[sflag:s5] =	ssyncadd.s32 $0xFFFFD800  }
0x1b: {  	[bflag:$0x0] =	sbarrier.arrive $0xFFFF  }
0x1c: {  	[spmem:s1] =	stream.indirect.scatter.add.f32 [tilespmem:s2], [sflag:$0x1], $0x1, s8, s8, $0xb8;
	[tilespmem:$0x5C38] =	vst v63  }
0x1d: {  	s12 =	sadd.s32 $0xFFFFFFFF, s12;
	_ =	swait.ge [sflag:s5], $0x2800  }
0x1e: {  	p2 =	sne.s32 s12, $0x0;
	[sflag:s5] =	ssyncset.done $0x0  }
.Ltmp1:
0x1f: {  	[sflag:s5] =	ssyncadd.s32 $0xFFFFD800;
	(pc) =	sbr.rel @!p2 .LBB2_3-.Ltmp1, $4  }
0x20: {  	s13 =	simm.s32 @!p0 $0x20;
	s14 =	simm.s32 @!p0 $0x10;
	[bflag:$0x0] =	sbarrier.arrive $0xFFFF  }
0x21: {  	[hbm:s3@s13], [sflag:s11] =	dma.strided @!p0 [spmem:s4@s14], $0x1870, s10, $0x10   }
0x22: {  	_ =	swait.ge @!p0 [sflag:s10], $0x1870  }
0x23: {  	p1 =	por $0x1, $0x1;
	[sflag:s10] =	ssyncset.done @!p0 $0x0  }
.LBB2_2:
0x24: {  	[sflag:s10] =	ssyncadd.s32 @!p0 $0xFFFFE790  }
0x25: {  	[spmem:s4], [sflag:s11] =	dma.local @!p0 [hbm:s9], $0x1870  }
0x26: {  	s12 =	sadd.s32 $0xFFFFFFFF, s12;
	_ =	swait.ge @!p0 [sflag:s10], $0x1870  }
0x27: {  	p2 =	sne.s32 s12, $0x0;
	[sflag:s10] =	ssyncset.done @!p0 $0x0  }
0x28: {  	[sflag:s10] =	ssyncadd.s32 @!p0 $0xFFFFE790  }
0x29: {  	[tilespmem:s2], [sflag:$0x1] =	stream.linear.gather [hbm4b:s7+s2], $0x2800, $0x38;
	[tilespmem:$0x5C38] =	vst v63  }
0x2a: {  	_ =	swait.ge [sflag:s5], $0x2800  }
0x2b: {  	[sflag:s5] =	ssyncset.done $0x0  }
0x2c: {  	[sflag:s5] =	ssyncadd.s32 $0xFFFFD800  }
0x2d: {  	[tilespmem:s8], [sflag:$0x1] =	stream.linear.gather [hbm4b:s6+s2], $0x2800, $0x38;
	[tilespmem:$0x5C38] =	vst v63  }
0x2e: {  	_ =	swait.ge [sflag:s5], $0x2800  }
0x2f: {  	[sflag:s5] =	ssyncset.done $0x0  }
0x30: {  	[sflag:s5] =	ssyncadd.s32 $0xFFFFD800  }
0x31: {  	[bflag:$0x0] =	sbarrier.arrive $0xFFFF  }
0x32: {  	[spmem:s1] =	stream.indirect.scatter.add.f32 [tilespmem:s2], [sflag:$0x1], $0x1, s8, s8, $0xb8;
	[tilespmem:$0x5C38] =	vst v63  }
0x33: {  	_ =	swait.ge [sflag:s5], $0x2800  }
0x34: {  	[sflag:s5] =	ssyncset.done $0x0  }
.Ltmp2:
0x35: {  	[sflag:s5] =	ssyncadd.s32 $0xFFFFD800;
	(pc) =	sbr.rel @p2 .LBB2_2-.Ltmp2, $4  }
0x36: {  	[bflag:$0x0] =	sbarrier.arrive $0xFFFF  }
0x37: {  	[hbm:s3@s13], [sflag:s11] =	dma.strided @!p0 [spmem:s4@s14], $0x1870, s10, $0x10   }
0x38: {  	_ =	swait.ge @!p0 [sflag:s10], $0x1870  }
0x39: {  	[sflag:s10] =	ssyncset.done @!p0 $0x0  }
.LBB2_3:
0x3a: {  	p1 =	por p0, !p1  }
0x3b: {  	s11 =	simm.s32 @!p0 $0x1C01;
	s12 =	simm.s32 @!p0 $0x1;
	[sflag:s10] =	ssyncadd.s32 @!p1 $0xFFFFE790  }
0x3c: {  	[spmem:s4], [sflag:s11] =	dma.local @!p0 [hbm:s9], $0x1870  }
0x3d: {  	_ =	swait.ge @!p0 [sflag:s12], $0x1870  }
0x3e: {  	[sflag:s12] =	ssyncset.done @!p0 $0x0  }
0x3f: {  	[sflag:s12] =	ssyncadd.s32 @!p0 $0xFFFFE790  }
0x40: {  	[tilespmem:s2], [sflag:$0x1] =	stream.linear.gather [hbm4b:s7+s2], $0x2800, $0x38;
	[tilespmem:$0x5C38] =	vst v63  }
0x41: {  	_ =	swait.ge [sflag:s5], $0x2800  }
0x42: {  	[sflag:s5] =	ssyncset.done $0x0  }
0x43: {  	[sflag:s5] =	ssyncadd.s32 $0xFFFFD800  }
0x44: {  	[tilespmem:s8], [sflag:$0x1] =	stream.linear.gather [hbm4b:s6+s2], $0x2800, $0x38;
	[tilespmem:$0x5C38] =	vst v63  }
0x45: {  	_ =	swait.ge [sflag:s5], $0x2800  }
0x46: {  	[sflag:s5] =	ssyncset.done $0x0  }
0x47: {  	[sflag:s5] =	ssyncadd.s32 $0xFFFFD800  }
0x48: {  	[bflag:$0x0] =	sbarrier.arrive $0xFFFF  }
0x49: {  	[spmem:s1] =	stream.indirect.scatter.add.f32 [tilespmem:s2], [sflag:$0x1], $0x1, s8, s8, $0xb8;
	[tilespmem:$0x5C38] =	vst v63  }
0x4a: {  	_ =	swait.ge [sflag:s5], $0x2800  }
0x4b: {  	[sflag:s5] =	ssyncset.done $0x0  }
0x4c: {  	[sflag:s5] =	ssyncadd.s32 $0xFFFFD800  }
0x4d: {  	s1 =	simm.s32 @!p0 $0x20;
	s2 =	simm.s32 @!p0 $0x10;
	[bflag:$0x0] =	sbarrier.arrive $0xFFFF  }
0x4e: {  	[hbm:s3@s1], [sflag:s11] =	dma.strided @!p0 [spmem:s4@s2], $0x1870, s12, $0x10   }
0x4f: {  	_ =	swait.ge @!p0 [sflag:s12], $0x1870  }
0x50: {  	[sflag:s12] =	ssyncset.done @!p0 $0x0  }
0x51: {  	[sflag:s12] =	ssyncadd.s32 @!p0 $0xFFFFE790  }
0x52: {  	_ =	sfence.sel $0x180000  }
0x53: {  	[bflag:$0x0] =	sbarrier.arrive $0xFFFF  }
0x54: {  	_ =	strace $0x9000004A  }
0x55: {  	s0 =	sadd.s32 @!p0 $0x100000, s0;
	[bflag:$0x2] =	sbarrier.arrive $0xFFFF  }
0x56: {  	[sflag:s0] =	ssyncadd.tile.s32 @!p0 $0x1;
	_ =	shalt  }
.Lfunc_end2:
_tile_overlayer_lowered:
.L_overlay_start_2:
0x57: {  	(tag) =	ssettag $0x2  }
0x58: {  	s0 =	rddreg [dreg:$0x0];
	s2 =	stileid.u32  }
0x59: {  	s1 =	rddreg [dreg:$0x1];
	p0 =	sne.s32 s2, $0x0  }
0x5a: {  	s3 =	rddreg [dreg:$0x2];
	[bflag:$0x3] =	sbarrier.arrive $0xFFFF;
	s2 =	simm.s32 @!p0 $0x1C01  }
0x5b: {  	[timem:s3], [sflag:s2] =	dma.local @!p0 [hbm:s0], s1  }
0x5c: {  	s0 =	simm.s32 @!p0 $0x1  }
0x5d: {  	_ =	swait.ge @!p0 [sflag:s0], s1  }
0x5e: {  	s1 =	ssub.s32 @!p0 $0x0, s1;
	[sflag:s0] =	ssyncset.done @!p0 $0x0  }
0x5f: {  	[sflag:s0] =	ssyncadd.s32 @!p0 s1  }
0x60: {  	[bflag:$0x3] =	sbarrier.arrive $0xFFFF  }
0x61: {  	_ =	shalt  }

// kernel: kernel.14.cloned.1.call-start
scs
__scs_entry_jumppad:
0x0: {  	(pc) =	sbr.rel $0x88, $3  }
0x1: {  	(tag) =	ssettag $0x0;
	lr =	simm.s32 $0x1  }
0x2: {  	[smem:$0x3F9A] =	sst lr;
	_ =	strace $0xD0000000  }
0x3: {  	_ = 	snop  }
0x4: {  	_ = 	snop  }
0x5: {  	_ = 	snop  }
0x6: {  	_ = 	snop  }
0x7: {  	_ = 	snop  }
__scs_overlays_trampoline_lowered:
0x8: {  	[smem:$0x3FA9] =	sst s0  }
0x9: {  	[smem:$0x3FAA] =	sst s1  }
0xa: {  	[smem:$0x3FAB] =	sst s2  }
0xb: {  	[smem:$0x3FAC] =	sst s3  }
0xc: {  	[smem:$0x3FAD] =	sst s4  }
0xd: {  	[smem:$0x3FAE] =	sst s5  }
0xe: {  	[smem:$0x3FAF] =	sst s6  }
0xf: {  	[smem:$0x3FB0] =	sst s7  }
0x10: {  	[smem:$0x3FB1] =	sst s8  }
0x11: {  	[smem:$0x3FB2] =	sst s9;
	s0 =	simm.s32 @!p0 $0x0  }
0x12: {  	s1 =	sld [smem:$0x3F98];
	s0 =	simm.s32 @p0 $0x1  }
0x13: {  	[smem:$0x3FB3] =	sst s0;
	s0 =	simm.s32 @!p1 $0x0  }
0x14: {  	s2 =	sld [smem:$0x3F97];
	s0 =	simm.s32 @p1 $0x1  }
0x15: {  	[smem:$0x3FB4] =	sst s0;
	s0 =	simm.s32 @!p2 $0x0  }
0x16: {  	s3 =	sld [smem:$0x3FDB];
	s0 =	simm.s32 @p2 $0x1  }
0x17: {  	s4 =	simm.s32 $0x1BF5;
	[smem:$0x3FB6] =	sst s0  }
0x18: {  	s0 =	sld [smem:$0x3F99];
	_ =	swait.ge [sflag:s4], $0x0  }
0x19: {  	s7 =	sld [smem:$0x3F9A]  }
0x1a: {  	s8 =	sadd.s32 $0xFFFFE003, lr  }
0x1b: {  	s9 =	sadd.s32 $0xFFFFFEF7, lr;
	s5 =	simm.s32 $0xFFFFFFFF;
	p2 =	slt.u32 s8, $0xFFFFF086  }
0x1c: {  	p1 =	slt.u32 s9, $0xF7A;
	s5 =	simm.s32 @!p2 $0x0  }
0x1d: {  	s5 =	simm.s32 @p1 $0x1;
	p0 =	seq.s32 s7, s2  }
0x1e: {  	s7 =	smul.u32 @!p0 $0xF7A, s2;
	p2 =	seq.s32 @!p0 s5, $0x0  }
0x1f: {  	s9 =	smul.u32 $0xF7A, s1;
	s8 =	simm.s32 @!p0 $0x1BF5;
	p2 =	por !p2, p0  }
0x20: {  	[sflag:s8] =	ssyncset.s32 @!p0 $0xFFFFF086;
	s6 =	sadd.s32 @!p0 s3, s7;
	s7 =	simm.s32 @!p0 $0x108  }
0x21: {  	s3 =	sadd.s32 s3, s9;
	s6 =	sadd.s32 @!p0 $0x88, s6;
	s7 =	simm.s32 @p2 $0x1082  }
0x22: {  	[simem:s7], [sflag:s8] =	dma.local @!p0 [hbm:s6], $0xF7A  }
0x23: {  	s9 =	sor.u32 $0xD0000000, s2;
	s6 =	simm.s32 $0x108;
	_ =	swait.ge @!p0 [sflag:s8], $0x0  }
0x24: {  	s3 =	sadd.s32 $0x88, s3;
	s6 =	simm.s32 @!p1 $0x1082;
	[sflag:s4] =	ssyncset.s32 $0xFFFFF086  }
0x25: {  	[simem:s6], [sflag:s4] =	dma.local [hbm:s3], $0xF7A  }
0x26: {  	[smem:$0x3F9A] =	sst s1;
	(tag) =	ssettag s2;
	_ =	strace s9  }
0x27: {  	s1 =	sld [smem:$0x3FAA]  }
0x28: {  	s2 =	sld [smem:$0x3FAB]  }
0x29: {  	s4 =	sld [smem:$0x3FAD]  }
0x2a: {  	p0 =	seq.s32 s5, $0x0;
	s5 =	sld [smem:$0x3FAE]  }
0x2b: {  	s6 =	sld [smem:$0x3FAF]  }
0x2c: {  	s7 =	sld [smem:$0x3FB0]  }
0x2d: {  	s3 =	simm.s32 $0x108;
	s8 =	sld [smem:$0x3FB1]  }
0x2e: {  	s3 =	simm.s32 @!p0 $0x1082;
	s9 =	sld [smem:$0x3FB2]  }
0x2f: {  	lr =	sadd.s32 s0, s3;
	s0 =	sld [smem:$0x3FA9]  }
0x30: {  	s3 =	sld [smem:$0x3FAC]  }
0x31: {  	[smem:$0x3FB5] =	sst s10  }
0x32: {  	s10 =	sld [smem:$0x3FB3];
	_ =	sdelay $0x3  }
0x33: {  	p0 =	seq.s32 s10, $0x1;
	s10 =	sld [smem:$0x3FB5];
	_ =	sdelay $0x3  }
0x34: {  	[smem:$0x3FB5] =	sst s10  }
0x35: {  	s10 =	sld [smem:$0x3FB4];
	_ =	sdelay $0x3  }
0x36: {  	p1 =	seq.s32 s10, $0x1;
	s10 =	sld [smem:$0x3FB5];
	_ =	sdelay $0x3  }
0x37: {  	[smem:$0x3FB5] =	sst s10  }
0x38: {  	s10 =	sld [smem:$0x3FB6]  }
0x39: {  	_ = 	snop;
	(pc) =	sbr.ind lr, $3  }
0x3a: {  	_ = 	snop  }
0x3b: {  	_ = 	snop  }
0x3c: {  	p2 =	seq.s32 s10, $0x1;
	s10 =	sld [smem:$0x3FB5]  }
0x3d: {  	_ =	shalt  }
0x3e: {  	_ =	shalt  }
0x3f: {  	_ =	shalt  }
0x40: {  	_ =	shalt  }
0x41: {  	_ =	shalt  }
0x42: {  	_ =	shalt  }
0x43: {  	_ =	shalt  }
0x44: {  	_ =	shalt  }
0x45: {  	_ =	shalt  }
0x46: {  	_ =	shalt  }
0x47: {  	_ =	shalt  }
0x48: {  	_ =	shalt  }
0x49: {  	_ =	shalt  }
0x4a: {  	_ =	shalt  }
0x4b: {  	_ =	shalt  }
0x4c: {  	_ =	shalt  }
0x4d: {  	_ =	shalt  }
0x4e: {  	_ =	shalt  }
0x4f: {  	_ =	shalt  }
0x50: {  	_ =	shalt  }
0x51: {  	_ =	shalt  }
0x52: {  	_ =	shalt  }
0x53: {  	_ =	shalt  }
0x54: {  	_ =	shalt  }
0x55: {  	_ =	shalt  }
0x56: {  	_ =	shalt  }
0x57: {  	_ =	shalt  }
0x58: {  	_ =	shalt  }
0x59: {  	_ =	shalt  }
0x5a: {  	_ =	shalt  }
0x5b: {  	_ =	shalt  }
0x5c: {  	_ =	shalt  }
0x5d: {  	_ =	shalt  }
0x5e: {  	_ =	shalt  }
0x5f: {  	_ =	shalt  }
0x60: {  	_ =	shalt  }
0x61: {  	_ =	shalt  }
0x62: {  	_ =	shalt  }
0x63: {  	_ =	shalt  }
0x64: {  	_ =	shalt  }
0x65: {  	_ =	shalt  }
0x66: {  	_ =	shalt  }
0x67: {  	_ =	shalt  }
0x68: {  	_ =	shalt  }
0x69: {  	_ =	shalt  }
0x6a: {  	_ =	shalt  }
0x6b: {  	_ =	shalt  }
0x6c: {  	_ =	shalt  }
0x6d: {  	_ =	shalt  }
0x6e: {  	_ =	shalt  }
0x6f: {  	_ =	shalt  }
0x70: {  	_ =	shalt  }
0x71: {  	_ =	shalt  }
0x72: {  	_ =	shalt  }
0x73: {  	_ =	shalt  }
0x74: {  	_ =	shalt  }
0x75: {  	_ =	shalt  }
0x76: {  	_ =	shalt  }
0x77: {  	_ =	shalt  }
0x78: {  	_ =	shalt  }
0x79: {  	_ =	shalt  }
0x7a: {  	_ =	shalt  }
0x7b: {  	_ =	shalt  }
0x7c: {  	_ =	shalt  }
0x7d: {  	_ =	shalt  }
0x7e: {  	_ =	shalt  }
0x7f: {  	_ =	shalt  }
0x80: {  	_ =	shalt  }
0x81: {  	_ =	shalt  }
0x82: {  	_ =	shalt  }
0x83: {  	_ =	shalt  }
0x84: {  	_ =	shalt  }
0x85: {  	_ =	shalt  }
0x86: {  	_ =	shalt  }
0x87: {  	_ =	shalt  }
.Lfunc_end0:
.L_simem_size_0:
called_computation.2_lowered:
.L_overlay_start_0:
0x88: {  	s2 =	sld [smem:$0x3FD9]  }
0x89: {  	s3 =	sld [smem:$0x3FFE];
	_ =	sdelay $0x1  }
0x8a: {  	s1 =	srdreg.scid  }
0x8b: {  	s0 =	sand.u32 $0x1, s1  }
0x8c: {  	s17 =	sshll.u32 s0, $0xA;
	s2 =	sadd.s32 s3, s2  }
0x8d: {  	s2 =	sadd.s32 s2, s17  }
0x8e: {  	[smem:$0x3FC1] =	sst s2  }
0x8f: {  	_ = 	snop  }
0x90: {  	s2 =	sld [smem:$0x3FC3];
	(tm) =	ssettm $0x1  }
0x91: {  	s18 =	sld [smem:$0x3FFB];
	_ =	sdelay $0x3  }
0x92: {  	_ =	strace s18  }
0x93: {  	s3 =	sld [smem:$0x3FFC];
	_ =	sdelay $0x3  }
0x94: {  	_ =	strace s3  }
0x95: {  	s3 =	sld [smem:$0x3FFD];
	_ =	sdelay $0x3  }
0x96: {  	_ =	strace s3  }
0x97: {  	_ =	strace $0x8FFFFFFF  }
0x98: {  	s19 =	sld [smem:$0x3FDB];
	_ =	sdelay $0x1  }
0x99: {  	s4 =	simm.s32 $_scs_section_size  }
0x9a: {  	s5 =	simm.s32 $_size__tile_overlayer_lowered;
	s6 =	simm.s32 $_tile_overlayer_lowered  }
0x9b: {  	s22 =	simm.s32 $0x1BFF;
	s21 =	sshll.u32 s6, $0x1;
	s3 =	sadd.s32 s4, s19  }
0x9c: {  	s7 =	simm.s32 $0x0;
	s20 =	sshll.u32 s5, $0x1;
	s5 =	sadd.s32 s21, s3  }
0x9d: {  	[timem:s7], [sflag:s22] =	dma.local [hbm:s5], s20  }
0x9e: {  	_ =	swait.ge [sflag:s22], s20  }
0x9f: {  	s4 =	ssub.s32 $0x0, s20;
	[sflag:s22] =	ssyncset.done $0x0  }
0xa0: {  	[sflag:s22] =	ssyncadd.s32 s4;
	_ =	sdelay $0x1  }
0xa1: {  	s23 =	simm.s32 $0x1B8B  }
0xa2: {  	_ =	swait.ge [sflag:s23], $0x1  }
0xa3: {  	[sflag:s23] =	ssyncset.done $0x0  }
0xa4: {  	s25 =	simm.s32 $0x1B8E;
	s24 =	sld [smem:$0x3FFE];
	[sflag:s23] =	ssyncadd.s32 $0xFFFFFFFF  }
0xa5: {  	s26 =	simm.s32 $execute0_lowered;
	[smem:$0x3FD2] =	sst s25  }
0xa6: {  	s5 =	sshll.u32 s26, $0x1;
	_ =	strace $0x8000004C;
	[dreg:$0x1] =	wrdreg $0xFFFFFFFF  }
0xa7: {  	s28 =	simm.s32 $_size_execute0_lowered;
	s3 =	sadd.s32 s3, s5;
	[dreg:$0x0] =	wrdreg $0x0  }
0xa8: {  	s5 =	sshll.u32 s28, $0x1;
	[dreg:$0x2] =	wrdreg s3  }
0xa9: {  	[dreg:$0x3] =	wrdreg s5  }
0xaa: {  	[dreg:$0x4] =	wrdreg $0xC0  }
0xab: {  	_ =	task [dreg:s7], $0x5FFFF  }
0xac: {  	[dreg:$0x1] =	wrdreg $0xFFFFFFFF  }
0xad: {  	[dreg:$0x0] =	wrdreg $0x60  }
0xae: {  	[dreg:$0x2] =	wrdreg s24  }
0xaf: {  	[dreg:$0x3] =	wrdreg s2  }
0xb0: {  	[dreg:$0x4] =	wrdreg $0x12000  }
0xb1: {  	[dreg:$0x5] =	wrdreg $0x9  }
0xb2: {  	_ =	task.clear_ibuf [dreg:s7], $0x6FFFF;
	_ =	strace $0x9000004C  }
0xb3: {  	s29 =	simm.s32 $0x9;
	_ =	strace $0x8000004E  }
0xb4: {  	_ =	swait.ge [sflag:s29], $0x1  }
0xb5: {  	[sflag:s29] =	ssyncadd.s32 $0xFFFFFFFF  }
0xb6: {  	_ =	strace $0x9000004E  }
0xb7: {  	_ =	sfence  }
0xb8: {  	s30 =	sld [smem:$0x0];
	_ =	sdelay $0x2  }
0xb9: {  	s31 =	sshll.u32 s1, $0xD;
	s1 =	sshrl.u32 s1, $0x2  }
0xba: {  	s3 =	sand.u32 $0x4000, s31;
	s1 =	sadd.s32 s1, s30  }
0xbb: {  	s0 =	sor.u32 s3, s0;
	s1 =	sshll.u32 s1, $0x11  }
0xbc: {  	s0 =	sor.u32 s1, s0  }
0xbd: {  	s0 =	sadd.s32 $0x8F2B, s0  }
0xbe: {  	[sflag:s0] =	ssyncadd.remote.s32 $0x1  }
0xbf: {  	_ =	sfence.sel $0xFFFF  }
0xc0: {  	[dreg:$0x0] =	wrdreg $0xFFFFFFFF;
	(pc) =	sbr.abs _section_cstart, $3  }
0xc1: {  	[dreg:$0x1] =	wrdreg $0xFFFFFFFF  }
0xc2: {  	_ =	task.clear_ibuf [dreg:s7], $0x2FFFF;
	_ =	strace $0x9FFFFFFF  }
0xc3: {  	(tm) =	ssettm $0x7FFFFFFF  }
tec
execute0_lowered:
.L_overlay_start_1:
0x0: {  	(tag) =	ssettag $0x1  }
0x1: {  	s6 =	rddreg [dreg:$0x0]  }
0x2: {  	s7 =	rddreg [dreg:$0x1]  }
0x3: {  	s0 =	srdreg.scid;
	s1 =	rddreg [dreg:$0x2]  }
0x4: {  	s2 =	simm.s32 $0x0;
	s3 =	sand.u32 $0x1, s0;
	s0 =	rddreg [dreg:$0x3]  }
0x5: {  	s9 =	stileid.u32;
	[smem:$0x7FF] =	sst s2  }
0x6: {  	p0 =	sne.s32 s9, $0x0;
	s4 =	sshll.u32 s3, $0x4;
	_ =	strace $0x8000004D  }
0x7: {  	s8 =	ssub.s32 $0x2, s3;
	s3 =	sadd.s32 $0x1E00, s6;
	s11 =	sor.u32 s9, s4  }
0x8: {  	s12 =	sshrl.u32 s8, $0x1;
	s13 =	sadd.s32 s4, s6;
	s5 =	smul.u32 $0x8E0, s11  }
0x9: {  	s12 =	ssub.s32 s8, s12;
	s8 =	sadd.s32 $0x6A00, s13;
	p1 =	seq.s32 s11, $0x1F  }
0xa: {  	s11 =	simm.s32 $0x8E0;
	s13 =	simm.s32 $0x1;
	s5 =	sshrl.u32 s5, $0x3  }
0xb: {  	s9 =	smax.u32 s12, $0x1;
	s12 =	simm.s32 $0x900;
	s10 =	sadd.s32 s5, s6  }
0xc: {  	s5 =	sadd.s32 s7, s5;
	s6 =	sadd.s32 $0x15E64, s6;
	s7 =	sadd.s32 $0xC264, s7  }
0xd: {  	s4 =	sadd.s32 $0x13C00, s10;
	s5 =	sadd.s32 $0xA000, s5;
	s10 =	sshrl.u32 @!p0 s1, $0x3  }
.LBB2_1:
0xe: {  	s15 =	simm.s32 @!p0 $0x1C01;
	s14 =	simm.s32 @!p0 $0x1  }
0xf: {  	[spmem:s10], [sflag:s15] =	dma.local @!p0 [hbm:s3], $0x1870  }
0x10: {  	_ =	swait.ge @!p0 [sflag:s14], $0x1870  }
0x11: {  	[sflag:s14] =	ssyncset.done @!p0 $0x0  }
0x12: {  	s16 =	simm.s32 @p1 $0x0;
	s17 =	simm.s32 @p1 $0x1;
	[sflag:s14] =	ssyncadd.s32 @!p0 $0xFFFFE790  }
0x13: {  	[tilespmem:s16], [sflag:$0x1] =	stream.linear.gather @p1 [hbm4b:s6+s16], $0x760, $0x38;
	[tilespmem:$0x1E38] =	vst v63  }
0x14: {  	_ =	swait.ge @p1 [sflag:s17], $0x760  }
0x15: {  	[sflag:s17] =	ssyncset.done @p1 $0x0  }
0x16: {  	s18 =	simm.s32 @p1 $0x900;
	[sflag:s17] =	ssyncadd.s32 @p1 $0xFFFFF8A0  }
0x17: {  	[tilespmem:s18], [sflag:$0x1] =	stream.linear.gather @p1 [hbm4b:s7+s16], $0x760, $0x38;
	[tilespmem:$0x1E38] =	vst v63  }
0x18: {  	_ =	swait.ge @p1 [sflag:s17], $0x760  }
0x19: {  	[sflag:s17] =	ssyncset.done @p1 $0x0  }
0x1a: {  	v0 =	vimm.f32 @p1 $0.0e+00;
	[sflag:s17] =	ssyncadd.s32 @p1 $0xFFFFF8A0  }
0x1b: {  	v1 =	vimm.s32 @p1 $0x0;
	[tilespmem:$0x760] =	vst @p1 v0  }
0x1c: {  	[tilespmem:$0x1060] =	vst @p1 v1  }
0x1d: {  	[tilespmem:$0x770] =	vst @p1 v0  }
0x1e: {  	[tilespmem:$0x1070] =	vst @p1 v1  }
0x1f: {  	[tilespmem:$0x780] =	vst @p1 v0  }
0x20: {  	[tilespmem:$0x1080] =	vst @p1 v1  }
0x21: {  	[tilespmem:$0x790] =	vst @p1 v0  }
0x22: {  	[tilespmem:$0x1090] =	vst @p1 v1  }
0x23: {  	[tilespmem:$0x7A0] =	vst @p1 v0  }
0x24: {  	[tilespmem:$0x10A0] =	vst @p1 v1  }
0x25: {  	[tilespmem:$0x7B0] =	vst @p1 v0  }
0x26: {  	[tilespmem:$0x10B0] =	vst @p1 v1  }
0x27: {  	[tilespmem:$0x7C0] =	vst @p1 v0  }
0x28: {  	[tilespmem:$0x10C0] =	vst @p1 v1  }
0x29: {  	[tilespmem:$0x7D0] =	vst @p1 v0  }
0x2a: {  	[tilespmem:$0x10D0] =	vst @p1 v1  }
0x2b: {  	[tilespmem:$0x7E0] =	vst @p1 v0  }
0x2c: {  	[tilespmem:$0x10E0] =	vst @p1 v1  }
0x2d: {  	[tilespmem:$0x7F0] =	vst @p1 v0  }
0x2e: {  	[tilespmem:$0x10F0] =	vst @p1 v1  }
0x2f: {  	[tilespmem:$0x800] =	vst @p1 v0  }
0x30: {  	[tilespmem:$0x1100] =	vst @p1 v1  }
0x31: {  	[tilespmem:$0x810] =	vst @p1 v0  }
0x32: {  	[tilespmem:$0x1110] =	vst @p1 v1  }
0x33: {  	[tilespmem:$0x820] =	vst @p1 v0  }
0x34: {  	[tilespmem:$0x1120] =	vst @p1 v1  }
0x35: {  	[tilespmem:$0x830] =	vst @p1 v0  }
0x36: {  	[tilespmem:$0x1130] =	vst @p1 v1  }
0x37: {  	[tilespmem:$0x840] =	vst @p1 v0  }
0x38: {  	[tilespmem:$0x1140] =	vst @p1 v1  }
0x39: {  	[tilespmem:$0x850] =	vst @p1 v0  }
0x3a: {  	[tilespmem:$0x1150] =	vst @p1 v1  }
0x3b: {  	[tilespmem:$0x860] =	vst @p1 v0  }
0x3c: {  	[tilespmem:$0x1160] =	vst @p1 v1  }
0x3d: {  	[tilespmem:$0x870] =	vst @p1 v0  }
0x3e: {  	[tilespmem:$0x1170] =	vst @p1 v1  }
0x3f: {  	[tilespmem:$0x880] =	vst @p1 v0  }
0x40: {  	[tilespmem:$0x1180] =	vst @p1 v1  }
0x41: {  	[tilespmem:$0x890] =	vst @p1 v0  }
0x42: {  	[tilespmem:$0x1190] =	vst @p1 v1  }
0x43: {  	[tilespmem:$0x8A0] =	vst @p1 v0  }
0x44: {  	[tilespmem:$0x11A0] =	vst @p1 v1  }
0x45: {  	[tilespmem:$0x8B0] =	vst @p1 v0  }
0x46: {  	[tilespmem:$0x11B0] =	vst @p1 v1  }
0x47: {  	[tilespmem:$0x8C0] =	vst @p1 v0  }
0x48: {  	[tilespmem:$0x11C0] =	vst @p1 v1  }
0x49: {  	[tilespmem:$0x8D0] =	vst @p1 v0  }
0x4a: {  	s16 =	simm.s32 @!p1 $0x0;
	s17 =	simm.s32 @!p1 $0x1;
	[tilespmem:$0x11D0] =	vst @p1 v1  }
0x4b: {  	[tilespmem:s16], [sflag:$0x1] =	stream.linear.gather @!p1 [hbm4b:s4+s16], $0x8E0, $0x38;
	[tilespmem:$0x1E38] =	vst v63  }
0x4c: {  	_ =	swait.ge @!p1 [sflag:s17], $0x8E0  }
0x4d: {  	[sflag:s17] =	ssyncset.done @!p1 $0x0  }
0x4e: {  	s18 =	simm.s32 @!p1 $0x900;
	[sflag:s17] =	ssyncadd.s32 @!p1 $0xFFFFF720  }
0x4f: {  	[tilespmem:s18], [sflag:$0x1] =	stream.linear.gather @!p1 [hbm4b:s5+s16], $0x8E0, $0x38;
	[tilespmem:$0x1E38] =	vst v63  }
0x50: {  	_ =	swait.ge @!p1 [sflag:s17], $0x8E0  }
0x51: {  	[sflag:s17] =	ssyncset.done @!p1 $0x0  }
0x52: {  	[sflag:s17] =	ssyncadd.s32 @!p1 $0xFFFFF720  }
0x53: {  	[bflag:$0x0] =	sbarrier.arrive $0xFFFF  }
0x54: {  	[spmem:s1] =	stream.indirect.scatter.add.f32 [tilespmem:s2], [sflag:$0x1], $0x1, s12, s11, $0xb8;
	[tilespmem:$0x1E38] =	vst v63  }
0x55: {  	_ =	swait.ge [sflag:s13], $0x8E0  }
0x56: {  	s9 =	sadd.s32 $0xFFFFFFFF, s9;
	[sflag:s13] =	ssyncset.done $0x0  }
0x57: {  	p2 =	sne.s32 s9, $0x0;
	s16 =	simm.s32 @!p0 $0x20;
	[sflag:s13] =	ssyncadd.s32 $0xFFFFF720  }
.Ltmp0:
0x58: {  	s17 =	simm.s32 @!p0 $0x10;
	[bflag:$0x0] =	sbarrier.arrive $0xFFFF;
	(pc) =	sbr.rel @p2 .LBB2_1-.Ltmp0, $4  }
0x59: {  	[hbm:s8@s16], [sflag:s15] =	dma.strided @!p0 [spmem:s10@s17], $0x1870, s14, $0x10   }
0x5a: {  	_ =	swait.ge @!p0 [sflag:s14], $0x1870  }
0x5b: {  	[sflag:s14] =	ssyncset.done @!p0 $0x0  }
0x5c: {  	[sflag:s14] =	ssyncadd.s32 @!p0 $0xFFFFE790  }
0x5d: {  	_ =	sfence.sel $0x180000  }
0x5e: {  	[bflag:$0x0] =	sbarrier.arrive $0xFFFF  }
0x5f: {  	_ =	strace $0x9000004D  }
0x60: {  	s0 =	sadd.s32 @!p0 $0x100000, s0;
	[bflag:$0x2] =	sbarrier.arrive $0xFFFF  }
0x61: {  	[sflag:s0] =	ssyncadd.tile.s32 @!p0 $0x1;
	_ =	shalt  }
.Lfunc_end2:
_tile_overlayer_lowered:
.L_overlay_start_2:
0x62: {  	(tag) =	ssettag $0x2  }
0x63: {  	s0 =	rddreg [dreg:$0x0];
	s2 =	stileid.u32  }
0x64: {  	s1 =	rddreg [dreg:$0x1];
	p0 =	sne.s32 s2, $0x0  }
0x65: {  	s3 =	rddreg [dreg:$0x2];
	[bflag:$0x3] =	sbarrier.arrive $0xFFFF;
	s2 =	simm.s32 @!p0 $0x1C01  }
0x66: {  	[timem:s3], [sflag:s2] =	dma.local @!p0 [hbm:s0], s1  }
0x67: {  	s0 =	simm.s32 @!p0 $0x1  }
0x68: {  	_ =	swait.ge @!p0 [sflag:s0], s1  }
0x69: {  	s1 =	ssub.s32 @!p0 $0x0, s1;
	[sflag:s0] =	ssyncset.done @!p0 $0x0  }
0x6a: {  	[sflag:s0] =	ssyncadd.s32 @!p0 s1  }
0x6b: {  	[bflag:$0x3] =	sbarrier.arrive $0xFFFF  }
0x6c: {  	_ =	shalt  }

// kernel: kernel.8.cloned.1.call-start
scs
__scs_entry_jumppad:
0x0: {  	(pc) =	sbr.rel $0x88, $3  }
0x1: {  	(tag) =	ssettag $0x0;
	lr =	simm.s32 $0x1  }
0x2: {  	[smem:$0x3F9A] =	sst lr;
	_ =	strace $0xD0000000  }
0x3: {  	_ = 	snop  }
0x4: {  	_ = 	snop  }
0x5: {  	_ = 	snop  }
0x6: {  	_ = 	snop  }
0x7: {  	_ = 	snop  }
__scs_overlays_trampoline_lowered:
0x8: {  	[smem:$0x3FA9] =	sst s0  }
0x9: {  	[smem:$0x3FAA] =	sst s1  }
0xa: {  	[smem:$0x3FAB] =	sst s2  }
0xb: {  	[smem:$0x3FAC] =	sst s3  }
0xc: {  	[smem:$0x3FAD] =	sst s4  }
0xd: {  	[smem:$0x3FAE] =	sst s5  }
0xe: {  	[smem:$0x3FAF] =	sst s6  }
0xf: {  	[smem:$0x3FB0] =	sst s7  }
0x10: {  	[smem:$0x3FB1] =	sst s8  }
0x11: {  	[smem:$0x3FB2] =	sst s9;
	s0 =	simm.s32 @!p0 $0x0  }
0x12: {  	s1 =	sld [smem:$0x3F98];
	s0 =	simm.s32 @p0 $0x1  }
0x13: {  	[smem:$0x3FB3] =	sst s0;
	s0 =	simm.s32 @!p1 $0x0  }
0x14: {  	s2 =	sld [smem:$0x3F97];
	s0 =	simm.s32 @p1 $0x1  }
0x15: {  	[smem:$0x3FB4] =	sst s0;
	s0 =	simm.s32 @!p2 $0x0  }
0x16: {  	s3 =	sld [smem:$0x3FDB];
	s0 =	simm.s32 @p2 $0x1  }
0x17: {  	s4 =	simm.s32 $0x1BF5;
	[smem:$0x3FB6] =	sst s0  }
0x18: {  	s0 =	sld [smem:$0x3F99];
	_ =	swait.ge [sflag:s4], $0x0  }
0x19: {  	s7 =	sld [smem:$0x3F9A]  }
0x1a: {  	s8 =	sadd.s32 $0xFFFFE003, lr  }
0x1b: {  	s9 =	sadd.s32 $0xFFFFFEF7, lr;
	s5 =	simm.s32 $0xFFFFFFFF;
	p2 =	slt.u32 s8, $0xFFFFF086  }
0x1c: {  	p1 =	slt.u32 s9, $0xF7A;
	s5 =	simm.s32 @!p2 $0x0  }
0x1d: {  	s5 =	simm.s32 @p1 $0x1;
	p0 =	seq.s32 s7, s2  }
0x1e: {  	s7 =	smul.u32 @!p0 $0xF7A, s2;
	p2 =	seq.s32 @!p0 s5, $0x0  }
0x1f: {  	s9 =	smul.u32 $0xF7A, s1;
	s8 =	simm.s32 @!p0 $0x1BF5;
	p2 =	por !p2, p0  }
0x20: {  	[sflag:s8] =	ssyncset.s32 @!p0 $0xFFFFF086;
	s6 =	sadd.s32 @!p0 s3, s7;
	s7 =	simm.s32 @!p0 $0x108  }
0x21: {  	s3 =	sadd.s32 s3, s9;
	s6 =	sadd.s32 @!p0 $0x88, s6;
	s7 =	simm.s32 @p2 $0x1082  }
0x22: {  	[simem:s7], [sflag:s8] =	dma.local @!p0 [hbm:s6], $0xF7A  }
0x23: {  	s9 =	sor.u32 $0xD0000000, s2;
	s6 =	simm.s32 $0x108;
	_ =	swait.ge @!p0 [sflag:s8], $0x0  }
0x24: {  	s3 =	sadd.s32 $0x88, s3;
	s6 =	simm.s32 @!p1 $0x1082;
	[sflag:s4] =	ssyncset.s32 $0xFFFFF086  }
0x25: {  	[simem:s6], [sflag:s4] =	dma.local [hbm:s3], $0xF7A  }
0x26: {  	[smem:$0x3F9A] =	sst s1;
	(tag) =	ssettag s2;
	_ =	strace s9  }
0x27: {  	s1 =	sld [smem:$0x3FAA]  }
0x28: {  	s2 =	sld [smem:$0x3FAB]  }
0x29: {  	s4 =	sld [smem:$0x3FAD]  }
0x2a: {  	p0 =	seq.s32 s5, $0x0;
	s5 =	sld [smem:$0x3FAE]  }
0x2b: {  	s6 =	sld [smem:$0x3FAF]  }
0x2c: {  	s7 =	sld [smem:$0x3FB0]  }
0x2d: {  	s3 =	simm.s32 $0x108;
	s8 =	sld [smem:$0x3FB1]  }
0x2e: {  	s3 =	simm.s32 @!p0 $0x1082;
	s9 =	sld [smem:$0x3FB2]  }
0x2f: {  	lr =	sadd.s32 s0, s3;
	s0 =	sld [smem:$0x3FA9]  }
0x30: {  	s3 =	sld [smem:$0x3FAC]  }
0x31: {  	[smem:$0x3FB5] =	sst s10  }
0x32: {  	s10 =	sld [smem:$0x3FB3];
	_ =	sdelay $0x3  }
0x33: {  	p0 =	seq.s32 s10, $0x1;
	s10 =	sld [smem:$0x3FB5];
	_ =	sdelay $0x3  }
0x34: {  	[smem:$0x3FB5] =	sst s10  }
0x35: {  	s10 =	sld [smem:$0x3FB4];
	_ =	sdelay $0x3  }
0x36: {  	p1 =	seq.s32 s10, $0x1;
	s10 =	sld [smem:$0x3FB5];
	_ =	sdelay $0x3  }
0x37: {  	[smem:$0x3FB5] =	sst s10  }
0x38: {  	s10 =	sld [smem:$0x3FB6]  }
0x39: {  	_ = 	snop;
	(pc) =	sbr.ind lr, $3  }
0x3a: {  	_ = 	snop  }
0x3b: {  	_ = 	snop  }
0x3c: {  	p2 =	seq.s32 s10, $0x1;
	s10 =	sld [smem:$0x3FB5]  }
0x3d: {  	_ =	shalt  }
0x3e: {  	_ =	shalt  }
0x3f: {  	_ =	shalt  }
0x40: {  	_ =	shalt  }
0x41: {  	_ =	shalt  }
0x42: {  	_ =	shalt  }
0x43: {  	_ =	shalt  }
0x44: {  	_ =	shalt  }
0x45: {  	_ =	shalt  }
0x46: {  	_ =	shalt  }
0x47: {  	_ =	shalt  }
0x48: {  	_ =	shalt  }
0x49: {  	_ =	shalt  }
0x4a: {  	_ =	shalt  }
0x4b: {  	_ =	shalt  }
0x4c: {  	_ =	shalt  }
0x4d: {  	_ =	shalt  }
0x4e: {  	_ =	shalt  }
0x4f: {  	_ =	shalt  }
0x50: {  	_ =	shalt  }
0x51: {  	_ =	shalt  }
0x52: {  	_ =	shalt  }
0x53: {  	_ =	shalt  }
0x54: {  	_ =	shalt  }
0x55: {  	_ =	shalt  }
0x56: {  	_ =	shalt  }
0x57: {  	_ =	shalt  }
0x58: {  	_ =	shalt  }
0x59: {  	_ =	shalt  }
0x5a: {  	_ =	shalt  }
0x5b: {  	_ =	shalt  }
0x5c: {  	_ =	shalt  }
0x5d: {  	_ =	shalt  }
0x5e: {  	_ =	shalt  }
0x5f: {  	_ =	shalt  }
0x60: {  	_ =	shalt  }
0x61: {  	_ =	shalt  }
0x62: {  	_ =	shalt  }
0x63: {  	_ =	shalt  }
0x64: {  	_ =	shalt  }
0x65: {  	_ =	shalt  }
0x66: {  	_ =	shalt  }
0x67: {  	_ =	shalt  }
0x68: {  	_ =	shalt  }
0x69: {  	_ =	shalt  }
0x6a: {  	_ =	shalt  }
0x6b: {  	_ =	shalt  }
0x6c: {  	_ =	shalt  }
0x6d: {  	_ =	shalt  }
0x6e: {  	_ =	shalt  }
0x6f: {  	_ =	shalt  }
0x70: {  	_ =	shalt  }
0x71: {  	_ =	shalt  }
0x72: {  	_ =	shalt  }
0x73: {  	_ =	shalt  }
0x74: {  	_ =	shalt  }
0x75: {  	_ =	shalt  }
0x76: {  	_ =	shalt  }
0x77: {  	_ =	shalt  }
0x78: {  	_ =	shalt  }
0x79: {  	_ =	shalt  }
0x7a: {  	_ =	shalt  }
0x7b: {  	_ =	shalt  }
0x7c: {  	_ =	shalt  }
0x7d: {  	_ =	shalt  }
0x7e: {  	_ =	shalt  }
0x7f: {  	_ =	shalt  }
0x80: {  	_ =	shalt  }
0x81: {  	_ =	shalt  }
0x82: {  	_ =	shalt  }
0x83: {  	_ =	shalt  }
0x84: {  	_ =	shalt  }
0x85: {  	_ =	shalt  }
0x86: {  	_ =	shalt  }
0x87: {  	_ =	shalt  }
.Lfunc_end0:
.L_simem_size_0:
called_computation_lowered:
.L_overlay_start_0:
0x88: {  	s2 =	sld [smem:$0x3FD9]  }
0x89: {  	s3 =	sld [smem:$0x3FFE];
	_ =	sdelay $0x1  }
0x8a: {  	s1 =	srdreg.scid  }
0x8b: {  	s0 =	sand.u32 $0x1, s1  }
0x8c: {  	s17 =	sshll.u32 s0, $0xA;
	s2 =	sadd.s32 s3, s2  }
0x8d: {  	s2 =	sadd.s32 s2, s17  }
0x8e: {  	[smem:$0x3FC1] =	sst s2  }
0x8f: {  	_ = 	snop  }
0x90: {  	s2 =	sld [smem:$0x3FC7]  }
0x91: {  	s18 =	sld [smem:$0x3FC4];
	(tm) =	ssettm $0x1  }
0x92: {  	s4 =	sld [smem:$0x3FFB];
	_ =	sdelay $0x3  }
0x93: {  	_ =	strace s4  }
0x94: {  	s4 =	sld [smem:$0x3FFC];
	_ =	sdelay $0x3  }
0x95: {  	_ =	strace s4  }
0x96: {  	s4 =	sld [smem:$0x3FFD];
	_ =	sdelay $0x3  }
0x97: {  	_ =	strace s4  }
0x98: {  	_ =	strace $0x8FFFFFFF  }
0x99: {  	s19 =	sld [smem:$0x3FDB];
	_ =	sdelay $0x1  }
0x9a: {  	s5 =	simm.s32 $_scs_section_size  }
0x9b: {  	s6 =	simm.s32 $_size__tile_overlayer_lowered;
	s7 =	simm.s32 $_tile_overlayer_lowered  }
0x9c: {  	s22 =	simm.s32 $0x1BFF;
	s21 =	sshll.u32 s7, $0x1;
	s4 =	sadd.s32 s5, s19  }
0x9d: {  	s8 =	simm.s32 $0x0;
	s20 =	sshll.u32 s6, $0x1;
	s6 =	sadd.s32 s21, s4  }
0x9e: {  	[timem:s8], [sflag:s22] =	dma.local [hbm:s6], s20  }
0x9f: {  	_ =	swait.ge [sflag:s22], s20  }
0xa0: {  	s5 =	ssub.s32 $0x0, s20;
	[sflag:s22] =	ssyncset.done $0x0  }
0xa1: {  	[sflag:s22] =	ssyncadd.s32 s5;
	_ =	sdelay $0x1  }
0xa2: {  	s23 =	simm.s32 $0x1B8B  }
0xa3: {  	_ =	swait.ge [sflag:s23], $0x1  }
0xa4: {  	[sflag:s23] =	ssyncset.done $0x0  }
0xa5: {  	s25 =	simm.s32 $0x1B8E;
	s24 =	sld [smem:$0x3FFE];
	[sflag:s23] =	ssyncadd.s32 $0xFFFFFFFF  }
0xa6: {  	s26 =	simm.s32 $execute0_lowered;
	[smem:$0x3FD2] =	sst s25  }
0xa7: {  	s6 =	sshll.u32 s26, $0x1;
	_ =	strace $0x80000046;
	[dreg:$0x1] =	wrdreg $0xFFFFFFFF  }
0xa8: {  	s28 =	simm.s32 $_size_execute0_lowered;
	s4 =	sadd.s32 s4, s6;
	[dreg:$0x0] =	wrdreg $0x0  }
0xa9: {  	s6 =	sshll.u32 s28, $0x1;
	[dreg:$0x2] =	wrdreg s4  }
0xaa: {  	[dreg:$0x3] =	wrdreg s6  }
0xab: {  	[dreg:$0x4] =	wrdreg $0xC0  }
0xac: {  	_ =	task [dreg:s8], $0x5FFFF  }
0xad: {  	[dreg:$0x1] =	wrdreg $0xFFFFFFFF  }
0xae: {  	[dreg:$0x0] =	wrdreg $0x60  }
0xaf: {  	[dreg:$0x2] =	wrdreg s2  }
0xb0: {  	[dreg:$0x3] =	wrdreg s18  }
0xb1: {  	[dreg:$0x4] =	wrdreg s24  }
0xb2: {  	[dreg:$0x5] =	wrdreg $0xC4000  }
0xb3: {  	[dreg:$0x6] =	wrdreg $0x9  }
0xb4: {  	_ =	task.clear_ibuf [dreg:s8], $0x7FFFF;
	_ =	strace $0x90000046  }
0xb5: {  	s29 =	simm.s32 $0x9;
	_ =	strace $0x80000048  }
0xb6: {  	_ =	swait.ge [sflag:s29], $0x1  }
0xb7: {  	[sflag:s29] =	ssyncadd.s32 $0xFFFFFFFF  }
0xb8: {  	_ =	strace $0x90000048  }
0xb9: {  	_ =	sfence  }
0xba: {  	s30 =	sld [smem:$0x0];
	_ =	sdelay $0x2  }
0xbb: {  	s31 =	sshll.u32 s1, $0xD;
	s1 =	sshrl.u32 s1, $0x2  }
0xbc: {  	s3 =	sand.u32 $0x4000, s31;
	s1 =	sadd.s32 s1, s30  }
0xbd: {  	s0 =	sor.u32 s3, s0;
	s1 =	sshll.u32 s1, $0x11  }
0xbe: {  	s0 =	sor.u32 s1, s0  }
0xbf: {  	s0 =	sadd.s32 $0x8F2B, s0  }
0xc0: {  	[sflag:s0] =	ssyncadd.remote.s32 $0x1  }
0xc1: {  	_ =	sfence.sel $0xFFFF  }
0xc2: {  	[dreg:$0x0] =	wrdreg $0xFFFFFFFF;
	(pc) =	sbr.abs _section_cstart, $3  }
0xc3: {  	[dreg:$0x1] =	wrdreg $0xFFFFFFFF  }
0xc4: {  	_ =	task.clear_ibuf [dreg:s8], $0x2FFFF;
	_ =	strace $0x9FFFFFFF  }
0xc5: {  	(tm) =	ssettm $0x7FFFFFFF  }
tec
execute0_lowered:
.L_overlay_start_1:
0x0: {  	(tag) =	ssettag $0x1  }
0x1: {  	s4 =	rddreg [dreg:$0x0]  }
0x2: {  	s5 =	rddreg [dreg:$0x1]  }
0x3: {  	s6 =	rddreg [dreg:$0x2]  }
0x4: {  	s0 =	srdreg.scid;
	s1 =	rddreg [dreg:$0x3]  }
0x5: {  	s2 =	simm.s32 $0x0;
	s3 =	sand.u32 $0x1, s0;
	s0 =	rddreg [dreg:$0x4]  }
0x6: {  	s8 =	stileid.u32;
	s12 =	simm.s32 $0x0;
	[smem:$0x7FF] =	sst s2  }
0x7: {  	p0 =	sne.s32 s8, $0x0;
	s7 =	sshll.u32 s3, $0x4;
	s10 =	ssub.s32 $0x2, s3  }
0x8: {  	_ =	strace $0x80000047;
	s3 =	sadd.s32 $0x1E00, s6;
	s9 =	sor.u32 s8, s7  }
0x9: {  	s11 =	sshrl.u32 s10, $0x1;
	s6 =	sadd.s32 s7, s6;
	s8 =	sshrl.u32 @!p0 s1, $0x3  }
0xa: {  	s9 =	smul.u32 $0xC35, s9;
	s31 =	ssub.s32 s10, s11;
	s6 =	sadd.s32 $0x3800, s6  }
0xb: {  	s10 =	simm.s32 $0x6200;
	s11 =	simm.s32 $0x61B0;
	s7 =	smax.u32 s31, $0x1  }
0xc: {  	vm0 =	vmmov $0xff;
	s4 =	sadd.s32 s4, s9;
	s5 =	sadd.s32 s5, s9;
	s9 =	simm.s32 $0x1  }
.LBB2_1:
0xd: {  	s13 =	simm.s32 @!p0 $0x1C01  }
0xe: {  	[spmem:s8], [sflag:s13] =	dma.local @!p0 [hbm:s3], $0x1870  }
0xf: {  	s13 =	simm.s32 @!p0 $0x1  }
0x10: {  	_ =	swait.ge @!p0 [sflag:s13], $0x1870  }
0x11: {  	[sflag:s13] =	ssyncset.done @!p0 $0x0  }
0x12: {  	[sflag:s13] =	ssyncadd.s32 @!p0 $0xFFFFE790  }
0x13: {  	[tilespmem:s2], [sflag:$0x1] =	stream.linear.gather [hbm4b:s4+s2], $0x61A8, $0x38;
	[tilespmem:$0xD038] =	vst v63  }
0x14: {  	_ =	swait.ge [sflag:s9], $0x61A8  }
0x15: {  	[sflag:s9] =	ssyncset.done $0x0  }
0x16: {  	[sflag:s9] =	ssyncadd.s32 $0xFFFF9E58  }
0x17: {  	[tilespmem:s10], [sflag:$0x1] =	stream.linear.gather [hbm4b:s5+s2], $0x61A8, $0x38;
	[tilespmem:$0xD038] =	vst v63  }
0x18: {  	_ =	swait.ge [sflag:s9], $0x61A8  }
0x19: {  	[sflag:s9] =	ssyncset.done $0x0  }
0x1a: {  	s14 =	simm.s32 $0x40;
	s13 =	simm.s32 $0x0;
	[sflag:s9] =	ssyncadd.s32 $0xFFFF9E58  }
.LBB2_2:
0x1b: {  	p1 =	sne.s32 s14, $0x18680;
	v0 =	vld [tilespmem:s13+$0x0];
	_ =	sdelay $0x4  }
0x1c: {  	v0 =	vmul.f32 $1.442695020e+00, v0;
	_ =	sdelay $0x1  }
0x1d: {  	(erf) = vpow2.f32 v0;
	_ =	sdelay $0x5  }
.Ltmp0:
0x1e: {  	(pc) =	sbr.rel @p1 .LBB2_2-.Ltmp0, $3  }
0x1f: {  	_ =	sdelay $0x1  }
0x20: {  	v0 =	vpop (erf)  }
0x21: {  	[tilespmem:s13+$0x0] =	vst v0;
	s13 =	sshra.s32 s14, $0x2;
	s14 =	sadd.s32 $0x40, s14  }
0x22: {  	v0 =	vld [tilespmem:s13+$0x0];
	_ =	sdelay $0x4  }
0x23: {  	v0 =	vmul.f32 $1.442695020e+00, v0;
	_ =	sdelay $0x1  }
0x24: {  	(erf) = vpow2.f32 v0;
	_ =	sdelay $0x8  }
0x25: {  	v0 =	vpop (erf)  }
0x26: {  	[tilespmem:s13+$0x0] =	vst v0  }
0x27: {  	v0 =	vld [tilespmem:$0x61A0]  }
0x28: {  	v1 =	vld [tilespmem:$0xC3A0];
	_ =	sdelay $0x3  }
0x29: {  	v0 =	vnsel vm0, $0x0, v0  }
0x2a: {  	v63 =	vnsel vm0, $0x0, v1;
	[tilespmem:$0x61A0] =	vst v0  }
0x2b: {  	[tilespmem:$0xC3A0] =	vst v63  }
0x2c: {  	[bflag:$0x0] =	sbarrier.arrive $0xFFFF  }
0x2d: {  	[spmem:s1] =	stream.indirect.scatter.add.f32 [tilespmem:s2], [sflag:$0x1], $0x1, s10, s11, $0xb8;
	[tilespmem:$0xD038] =	vst v63  }
0x2e: {  	s14 =	simm.s32 @!p0 $0x20;
	_ =	swait.ge [sflag:s9], $0x61B0  }
0x2f: {  	s15 =	simm.s32 @!p0 $0x10;
	s12 =	sadd.s32 $0x1, s12;
	[sflag:s9] =	ssyncset.done $0x0  }
0x30: {  	s16 =	simm.s32 @!p0 $0x1C01;
	p1 =	sne.s32 s12, s7;
	[sflag:s9] =	ssyncadd.s32 $0xFFFF9E50  }
.Ltmp1:
0x31: {  	s13 =	simm.s32 @!p0 $0x1;
	[bflag:$0x0] =	sbarrier.arrive $0xFFFF;
	(pc) =	sbr.rel @p1 .LBB2_1-.Ltmp1, $4  }
0x32: {  	[hbm:s6@s14], [sflag:s16] =	dma.strided @!p0 [spmem:s8@s15], $0x1870, s13, $0x10   }
0x33: {  	_ =	swait.ge @!p0 [sflag:s13], $0x1870  }
0x34: {  	[sflag:s13] =	ssyncset.done @!p0 $0x0  }
0x35: {  	[sflag:s13] =	ssyncadd.s32 @!p0 $0xFFFFE790  }
0x36: {  	_ =	sfence.sel $0x180000  }
0x37: {  	[bflag:$0x0] =	sbarrier.arrive $0xFFFF  }
0x38: {  	_ =	strace $0x90000047  }
0x39: {  	s0 =	sadd.s32 @!p0 $0x100000, s0;
	[bflag:$0x2] =	sbarrier.arrive $0xFFFF  }
0x3a: {  	[sflag:s0] =	ssyncadd.tile.s32 @!p0 $0x1;
	_ =	shalt  }
.Lfunc_end2:
_tile_overlayer_lowered:
.L_overlay_start_2:
0x3b: {  	(tag) =	ssettag $0x2  }
0x3c: {  	s0 =	rddreg [dreg:$0x0];
	s2 =	stileid.u32  }
0x3d: {  	s1 =	rddreg [dreg:$0x1];
	p0 =	sne.s32 s2, $0x0  }
0x3e: {  	s3 =	rddreg [dreg:$0x2];
	[bflag:$0x3] =	sbarrier.arrive $0xFFFF;
	s2 =	simm.s32 @!p0 $0x1C01  }
0x3f: {  	[timem:s3], [sflag:s2] =	dma.local @!p0 [hbm:s0], s1  }
0x40: {  	s0 =	simm.s32 @!p0 $0x1  }
0x41: {  	_ =	swait.ge @!p0 [sflag:s0], s1  }
0x42: {  	s1 =	ssub.s32 @!p0 $0x0, s1;
	[sflag:s0] =	ssyncset.done @!p0 $0x0  }
0x43: {  	[sflag:s0] =	ssyncadd.s32 @!p0 s1  }
0x44: {  	[bflag:$0x3] =	sbarrier.arrive $0xFFFF  }
0x45: {  	_ =	shalt  }

</sc_bundles>
